<compile_context>
chip_gen: v7x
topology: tpu7x:2x2x1
jax: 0.10.2.dev20260603
libtpu: 0.0.44.dev20260713+nightly
codegen_flags: <defaults>
</compile_context>

<pallas_src>
import jax
import jax.numpy as jnp
from jax import lax
from jax.experimental import pallas as pl
from jax.experimental.pallas import tpu as pltpu
from jax.experimental.pallas import tpu_sc as plsc

_N = 1_000_000
_NC = 2
_NS = 16
_NW = _NC * _NS
_CHUNK = 31_264
_LAST_BASE = (_NW - 1) * _CHUNK
_LAST = _N - _LAST_BASE
_ZSUB = 4096
_NZ = 7
_ZTAIL = _CHUNK - _NZ * _ZSUB
_HALF = 15_632


def _sc_pass(x_hbm, out_hbm, rec_hbm, xv, zv, rv, semz, semr0, semr1):
    wid = lax.axis_index("s") * _NC + lax.axis_index("c")
    is_last = wid == _NW - 1
    base = jnp.where(is_last, _LAST_BASE, wid * _CHUNK)
    size = jnp.where(is_last, _LAST, _CHUNK)
    zbase = jnp.where(is_last, _N - _CHUNK, wid * _CHUNK)

    @plsc.parallel_loop(0, _ZSUB, 16, unroll=8)
    def _zero(i):
        zv[pl.ds(i, 16)] = jnp.zeros((16,), jnp.float32)

    zcps = []
    for k in range(_NZ):
        zcps.append(pltpu.async_copy(
            zv, out_hbm.at[pl.ds(zbase + k * _ZSUB, _ZSUB)], semz))
    zcps.append(pltpu.async_copy(
        zv.at[pl.ds(0, _ZTAIL)],
        out_hbm.at[pl.ds(zbase + _NZ * _ZSUB, _ZTAIL)], semz))

    cp0 = pltpu.async_copy(
        x_hbm.at[pl.ds(base, _HALF)], xv.at[pl.ds(0, _HALF)], semr0)
    cp1 = pltpu.async_copy(
        x_hbm.at[pl.ds(base + _HALF, size - _HALF)],
        xv.at[pl.ds(_HALF, size - _HALF)], semr1)

    lanes = lax.convert_element_type(lax.iota(jnp.int32, 16), jnp.float32)
    basef = lax.convert_element_type(base, jnp.float32)
    zeros = jnp.zeros((16,), jnp.float32)
    ninf = jnp.full((16,), -jnp.inf, jnp.float32)

    def reduce_span(lo, hi, carry):
        def body(i, c):
            (a0, a1, a2, a3, m0, m1, m2, m3, i0, i1, i2, i3, ix) = c
            v0 = xv[pl.ds(i, 16)]
            v1 = xv[pl.ds(i + 16, 16)]
            v2 = xv[pl.ds(i + 32, 16)]
            v3 = xv[pl.ds(i + 48, 16)]
            a0 = a0 + jnp.abs(v0)
            a1 = a1 + jnp.abs(v1)
            a2 = a2 + jnp.abs(v2)
            a3 = a3 + jnp.abs(v3)
            g0 = v0 > m0
            g1 = v1 > m1
            g2 = v2 > m2
            g3 = v3 > m3
            m0 = jnp.where(g0, v0, m0)
            m1 = jnp.where(g1, v1, m1)
            m2 = jnp.where(g2, v2, m2)
            m3 = jnp.where(g3, v3, m3)
            i0 = jnp.where(g0, ix, i0)
            i1 = jnp.where(g1, ix + 16.0, i1)
            i2 = jnp.where(g2, ix + 32.0, i2)
            i3 = jnp.where(g3, ix + 48.0, i3)
            return (a0, a1, a2, a3, m0, m1, m2, m3, i0, i1, i2, i3, ix + 64.0)

        return plsc.parallel_loop(lo, hi, 64, unroll=2, carry=carry)(body)

    carry0 = (zeros, zeros, zeros, zeros, ninf, ninf, ninf, ninf,
              zeros, zeros, zeros, zeros, basef + lanes)

    cp0.wait()
    c = reduce_span(0, _HALF - 16, carry0)
    cp1.wait()
    c = c[:12] + (c[12] + 16.0,)
    c = reduce_span(_HALF, size - 16, c)
    (a0, a1, a2, a3, m0, m1, m2, m3, i0, i1, i2, i3, ix) = c

    def fold_tail(off, a, m, idx, idxvec):
        v = xv[pl.ds(off, 16)]
        g = v > m
        return (a + jnp.abs(v), jnp.where(g, v, m), jnp.where(g, idxvec, idx))

    t0 = basef + lax.convert_element_type(_HALF - 16, jnp.float32) + lanes
    t1 = basef + lax.convert_element_type(size - 16, jnp.float32) + lanes
    a0, m0, i0 = fold_tail(_HALF - 16, a0, m0, i0, t0)
    a1, m1, i1 = fold_tail(size - 16, a1, m1, i1, t1)

    def merge(m_a, i_a, m_b, i_b):
        take_b = jnp.logical_or(m_b > m_a,
                                jnp.logical_and(m_b == m_a, i_b < i_a))
        return (jnp.where(take_b, m_b, m_a), jnp.where(take_b, i_b, i_a))

    acc = (a0 + a1) + (a2 + a3)
    mm0, mi0 = merge(m0, i0, m1, i1)
    mm1, mi1 = merge(m2, i2, m3, i3)
    mm, mi = merge(mm0, mi0, mm1, mi1)

    rv[pl.ds(0, 16)] = acc
    rv[pl.ds(16, 16)] = mm
    rv[pl.ds(32, 16)] = mi
    pltpu.sync_copy(rv.at[pl.ds(0, 16)], rec_hbm.at[pl.ds(wid * 16, 16)])
    pltpu.sync_copy(rv.at[pl.ds(16, 16)],
                    rec_hbm.at[pl.ds(512 + wid * 16, 16)])
    pltpu.sync_copy(rv.at[pl.ds(32, 16)],
                    rec_hbm.at[pl.ds(1024 + wid * 16, 16)])

    for cpz in zcps:
        cpz.wait()


_sc_kernel = pl.kernel(
    _sc_pass,
    out_type=(jax.ShapeDtypeStruct((_N,), jnp.float32),
              jax.ShapeDtypeStruct((3 * _NW * 16,), jnp.float32)),
    mesh=plsc.VectorSubcoreMesh(core_axis_name="c", subcore_axis_name="s",
                                num_cores=_NC, num_subcores=_NS),
    scratch_types=[
        pltpu.VMEM((_CHUNK,), jnp.float32),
        pltpu.VMEM((_ZSUB,), jnp.float32),
        pltpu.VMEM((48,), jnp.float32),
        pltpu.SemaphoreType.DMA,
        pltpu.SemaphoreType.DMA,
        pltpu.SemaphoreType.DMA,
    ],
)


def _patch_body(rec_ref, big_ref, out_ref, row_ref, sem):
    del big_ref
    r = rec_ref[...]
    s_tot = jnp.sum(r[0:512])
    mx = r[512:1024]
    mi = r[1024:1536]
    gmx = jnp.max(mx)
    gif = jnp.min(jnp.where(mx == gmx, mi, 2.0e9))
    hp = jnp.logical_and(gmx > 0.0, gmx / s_tot > 0.0)
    gi = gif.astype(jnp.int32)
    wbase = pl.multiple_of(jnp.minimum((gi // 128) * 128, _N - 128), 128)
    ln = gi - wbase
    li = lax.broadcasted_iota(jnp.int32, (1, 128), 1)
    row_ref[...] = jnp.where(li == ln, jnp.where(hp, 1.0, 0.0), 0.0)
    cp = pltpu.make_async_copy(row_ref.at[0],
                               out_ref.at[pl.ds(wbase, 128)], sem)
    cp.start()
    cp.wait()


_patch_kernel = pl.pallas_call(
    _patch_body,
    out_shape=jax.ShapeDtypeStruct((_N,), jnp.float32),
    in_specs=[pl.BlockSpec(memory_space=pltpu.VMEM),
              pl.BlockSpec(memory_space=pl.ANY)],
    out_specs=pl.BlockSpec(memory_space=pl.ANY),
    input_output_aliases={1: 0},
    scratch_shapes=[pltpu.VMEM((1, 128), jnp.float32),
                    pltpu.SemaphoreType.DMA],
)


@jax.jit
def _impl(x):
    zeros_oh, recs = _sc_kernel(x)
    return _patch_kernel(recs, zeros_oh)


def kernel(x, neutralize):
    return _impl(x)

# --- scband reference (transcript-rebuilt; emitter-appended) ---
"""Pipeline reference for scband-normalized-softmax-60696477827529 (READ-ONLY COPY).

The authoritative reference and input builder live on the scoring server;
editing this copy changes nothing except your own understanding.
"""

import jax, jax.numpy as jnp
import numpy as np

N = 1000000  # stands in for the module's global nns.N

def setup_inputs(seed: int = 0) -> dict:
    key = jax.random.key(seed)
    x = jax.random.normal(key, (N,), dtype=jnp.float32)
    # neutralize passed as 0 (any non-'no_neutralize' value) -> takes the else branch
    return {"x": x, "neutralize": 0}

def reference(x, neutralize):
    # else-branch of NormalizedSoftmax.forward (neutralize != 'no_neutralize')
    xs = x[:N]
    xs = xs / jnp.sum(jnp.abs(xs))
    xs = jnp.where(xs < 0.0, 0.0, xs)          # x[x < 0] = 0
    has_pos = jnp.any(xs > 0.0)                # if len(x[x > 0]) == 0: return zeros
    xm = jnp.where(xs == 0.0, -99999.9, xs)    # x[x == 0] = -99999.9
    argmax_ = jnp.argmax(xm, axis=0)
    oh = jax.nn.one_hot(argmax_, N, dtype=jnp.float32)
    return jnp.where(has_pos, oh, jnp.zeros_like(oh))

if __name__ == "__main__":
    import jax
    _d = setup_inputs()
    print(jax.jit(kernel)(*tuple(_d.values())))

</pallas_src>

<mosaic_0001>
#map = affine_map<(d0, d1) -> (0)>
module attributes {stable_mosaic.version = 14 : i64} {
  func.func @_sc_pass(%arg0: i32, %arg1: i32, %arg2: memref<1000000xf32, #tpu.memory_space<hbm>>, %arg3: memref<1000000xf32, #tpu.memory_space<hbm>>, %arg4: memref<1536xf32, #tpu.memory_space<hbm>>, %arg5: memref<31264xf32, #tpu.memory_space<vmem>>, %arg6: memref<4096xf32, #tpu.memory_space<vmem>>, %arg7: memref<48xf32, #tpu.memory_space<vmem>>, %arg8: memref<!tpu.dma_semaphore, #tpu.memory_space<semaphore_mem>>, %arg9: memref<!tpu.dma_semaphore, #tpu.memory_space<semaphore_mem>>, %arg10: memref<!tpu.dma_semaphore, #tpu.memory_space<semaphore_mem>>) attributes {dimension_semantics = [#tpu.dimension_semantics<core_parallel>, #tpu.dimension_semantics<subcore_parallel>], iteration_bounds = array<i64: 2, 16>, scalar_prefetch = 0 : i64, scratch_operands = 6 : i64, tpu.core_type = #tpu.core_type<sc_vector_subcore>, window_params = [{transform_indices = #map}, {transform_indices = #map}, {transform_indices = #map}]} {
    %mul3A = arith.constant 2 : i32
    %mul3A_0 = arith.muli %arg1, %mul3A : i32
    %add3A = arith.addi %mul3A_0, %arg0 : i32
    %eq3A = arith.constant 31 : i32
    %eq3A_1 = arith.cmpi eq, %add3A, %eq3A : i32
    %mul3A_2 = arith.constant 31264 : i32
    %mul3A_3 = arith.muli %add3A, %mul3A_2 : i32
    %jit3A = arith.constant 969184 : i32
    %select_n3A = arith.select %eq3A_1, %jit3A, %mul3A_3 : i32
    %jit3A_4 = arith.constant 30816 : i32
    %jit3A_5 = arith.constant 31264 : i32
    %select_n3A_6 = arith.select %eq3A_1, %jit3A_4, %jit3A_5 : i32
    %mul3A_7 = arith.constant 31264 : i32
    %mul3A_8 = arith.muli %add3A, %mul3A_7 : i32
    %jit3A_9 = arith.constant 968736 : i32
    %select_n3A_10 = arith.select %eq3A_1, %jit3A_9, %mul3A_8 : i32
    %parallel_loop3A = arith.constant 0 : i32
    %parallel_loop3A_11 = arith.constant 4096 : i32
    %parallel_loop3A_12 = arith.constant 16 : i32
    scf.for %parallel_loop3A_181 = %parallel_loop3A to %parallel_loop3A_11 step %parallel_loop3A_12  : i32 {
      %parallel_loop3A_182 = arith.constant 0.000000e+00 : f32
      %parallel_loop3A_183 = vector.broadcast %parallel_loop3A_182 : f32 to vector<16xf32>
      %parallel_loop3A_184 = arith.index_cast %parallel_loop3A_181 : i32 to index
      %parallel_loop3A_185 = tpu.vector_load %arg6[%parallel_loop3A_184] {strides = array<i32>} : memref<4096xf32, #tpu.memory_space<vmem>>, vector<16xf32>,
      %parallel_loop3A_186 = vector.shape_cast %parallel_loop3A_185 : vector<16xf32> to vector<16xf32>
      %parallel_loop3A_187 = vector.shape_cast %parallel_loop3A_183 : vector<16xf32> to vector<16xf32>
      tpu.vector_store %arg6[%parallel_loop3A_184], %parallel_loop3A_187 {strides = array<i32>} : memref<4096xf32, #tpu.memory_space<vmem>>, vector<16xf32>,
    } {sc.loop_unroll_factor = 8 : i64, sc.parallel_access}
    %add3A_13 = arith.constant 0 : i32
    %add3A_14 = arith.addi %select_n3A_10, %add3A_13 : i32
    %dma_start3A = tpu.memref_slice %arg3[%add3A_14] : memref<1000000xf32, #tpu.memory_space<hbm>> -> memref<4096xf32, #tpu.memory_space<hbm>>
    %dma_start3A_15 = tpu.memref_slice %arg3[%add3A_14] : memref<1000000xf32, #tpu.memory_space<hbm>> -> memref<4096xf32, #tpu.memory_space<hbm>>
    tpu.enqueue_dma source(%arg6 : memref<4096xf32, #tpu.memory_space<vmem>>) target(%dma_start3A_15 : memref<4096xf32, #tpu.memory_space<hbm>>) target_semaphore(%arg8 : memref<!tpu.dma_semaphore, #tpu.memory_space<semaphore_mem>>)
    %add3A_16 = arith.constant 4096 : i32
    %add3A_17 = arith.addi %select_n3A_10, %add3A_16 : i32
    %dma_start3A_18 = tpu.memref_slice %arg3[%add3A_17] : memref<1000000xf32, #tpu.memory_space<hbm>> -> memref<4096xf32, #tpu.memory_space<hbm>>
    %dma_start3A_19 = tpu.memref_slice %arg3[%add3A_17] : memref<1000000xf32, #tpu.memory_space<hbm>> -> memref<4096xf32, #tpu.memory_space<hbm>>
    tpu.enqueue_dma source(%arg6 : memref<4096xf32, #tpu.memory_space<vmem>>) target(%dma_start3A_19 : memref<4096xf32, #tpu.memory_space<hbm>>) target_semaphore(%arg8 : memref<!tpu.dma_semaphore, #tpu.memory_space<semaphore_mem>>)
    %add3A_20 = arith.constant 8192 : i32
    %add3A_21 = arith.addi %select_n3A_10, %add3A_20 : i32
    %dma_start3A_22 = tpu.memref_slice %arg3[%add3A_21] : memref<1000000xf32, #tpu.memory_space<hbm>> -> memref<4096xf32, #tpu.memory_space<hbm>>
    %dma_start3A_23 = tpu.memref_slice %arg3[%add3A_21] : memref<1000000xf32, #tpu.memory_space<hbm>> -> memref<4096xf32, #tpu.memory_space<hbm>>
    tpu.enqueue_dma source(%arg6 : memref<4096xf32, #tpu.memory_space<vmem>>) target(%dma_start3A_23 : memref<4096xf32, #tpu.memory_space<hbm>>) target_semaphore(%arg8 : memref<!tpu.dma_semaphore, #tpu.memory_space<semaphore_mem>>)
    %add3A_24 = arith.constant 12288 : i32
    %add3A_25 = arith.addi %select_n3A_10, %add3A_24 : i32
    %dma_start3A_26 = tpu.memref_slice %arg3[%add3A_25] : memref<1000000xf32, #tpu.memory_space<hbm>> -> memref<4096xf32, #tpu.memory_space<hbm>>
    %dma_start3A_27 = tpu.memref_slice %arg3[%add3A_25] : memref<1000000xf32, #tpu.memory_space<hbm>> -> memref<4096xf32, #tpu.memory_space<hbm>>
    tpu.enqueue_dma source(%arg6 : memref<4096xf32, #tpu.memory_space<vmem>>) target(%dma_start3A_27 : memref<4096xf32, #tpu.memory_space<hbm>>) target_semaphore(%arg8 : memref<!tpu.dma_semaphore, #tpu.memory_space<semaphore_mem>>)
    %add3A_28 = arith.constant 16384 : i32
    %add3A_29 = arith.addi %select_n3A_10, %add3A_28 : i32
    %dma_start3A_30 = tpu.memref_slice %arg3[%add3A_29] : memref<1000000xf32, #tpu.memory_space<hbm>> -> memref<4096xf32, #tpu.memory_space<hbm>>
    %dma_start3A_31 = tpu.memref_slice %arg3[%add3A_29] : memref<1000000xf32, #tpu.memory_space<hbm>> -> memref<4096xf32, #tpu.memory_space<hbm>>
    tpu.enqueue_dma source(%arg6 : memref<4096xf32, #tpu.memory_space<vmem>>) target(%dma_start3A_31 : memref<4096xf32, #tpu.memory_space<hbm>>) target_semaphore(%arg8 : memref<!tpu.dma_semaphore, #tpu.memory_space<semaphore_mem>>)
    %add3A_32 = arith.constant 20480 : i32
    %add3A_33 = arith.addi %select_n3A_10, %add3A_32 : i32
    %dma_start3A_34 = tpu.memref_slice %arg3[%add3A_33] : memref<1000000xf32, #tpu.memory_space<hbm>> -> memref<4096xf32, #tpu.memory_space<hbm>>
    %dma_start3A_35 = tpu.memref_slice %arg3[%add3A_33] : memref<1000000xf32, #tpu.memory_space<hbm>> -> memref<4096xf32, #tpu.memory_space<hbm>>
    tpu.enqueue_dma source(%arg6 : memref<4096xf32, #tpu.memory_space<vmem>>) target(%dma_start3A_35 : memref<4096xf32, #tpu.memory_space<hbm>>) target_semaphore(%arg8 : memref<!tpu.dma_semaphore, #tpu.memory_space<semaphore_mem>>)
    %add3A_36 = arith.constant 24576 : i32
    %add3A_37 = arith.addi %select_n3A_10, %add3A_36 : i32
    %dma_start3A_38 = tpu.memref_slice %arg3[%add3A_37] : memref<1000000xf32, #tpu.memory_space<hbm>> -> memref<4096xf32, #tpu.memory_space<hbm>>
    %dma_start3A_39 = tpu.memref_slice %arg3[%add3A_37] : memref<1000000xf32, #tpu.memory_space<hbm>> -> memref<4096xf32, #tpu.memory_space<hbm>>
    tpu.enqueue_dma source(%arg6 : memref<4096xf32, #tpu.memory_space<vmem>>) target(%dma_start3A_39 : memref<4096xf32, #tpu.memory_space<hbm>>) target_semaphore(%arg8 : memref<!tpu.dma_semaphore, #tpu.memory_space<semaphore_mem>>)
    %add3A_40 = arith.constant 28672 : i32
    %add3A_41 = arith.addi %select_n3A_10, %add3A_40 : i32
    %dma_start3A_42 = arith.constant 0 : i32
    %dma_start3A_43 = tpu.memref_slice %arg6[%dma_start3A_42] : memref<4096xf32, #tpu.memory_space<vmem>> -> memref<2592xf32, #tpu.memory_space<vmem>>
    %dma_start3A_44 = tpu.memref_slice %arg3[%add3A_41] : memref<1000000xf32, #tpu.memory_space<hbm>> -> memref<2592xf32, #tpu.memory_space<hbm>>
    %dma_start3A_45 = tpu.memref_slice %arg3[%add3A_41] : memref<1000000xf32, #tpu.memory_space<hbm>> -> memref<2592xf32, #tpu.memory_space<hbm>>
    %dma_start3A_46 = arith.constant 0 : i32
    %dma_start3A_47 = tpu.memref_slice %arg6[%dma_start3A_46] : memref<4096xf32, #tpu.memory_space<vmem>> -> memref<2592xf32, #tpu.memory_space<vmem>>
    tpu.enqueue_dma source(%dma_start3A_47 : memref<2592xf32, #tpu.memory_space<vmem>>) target(%dma_start3A_45 : memref<2592xf32, #tpu.memory_space<hbm>>) target_semaphore(%arg8 : memref<!tpu.dma_semaphore, #tpu.memory_space<semaphore_mem>>)
    %dma_start3A_48 = arith.constant 0 : i32
    %dma_start3A_49 = tpu.memref_slice %arg5[%dma_start3A_48] : memref<31264xf32, #tpu.memory_space<vmem>> -> memref<15632xf32, #tpu.memory_space<vmem>>
    %dma_start3A_50 = tpu.memref_slice %arg2[%select_n3A] : memref<1000000xf32, #tpu.memory_space<hbm>> -> memref<15632xf32, #tpu.memory_space<hbm>>
    %dma_start3A_51 = arith.constant 0 : i32
    %dma_start3A_52 = tpu.memref_slice %arg5[%dma_start3A_51] : memref<31264xf32, #tpu.memory_space<vmem>> -> memref<15632xf32, #tpu.memory_space<vmem>>
    %dma_start3A_53 = tpu.memref_slice %arg2[%select_n3A] : memref<1000000xf32, #tpu.memory_space<hbm>> -> memref<15632xf32, #tpu.memory_space<hbm>>
    tpu.enqueue_dma source(%dma_start3A_53 : memref<15632xf32, #tpu.memory_space<hbm>>) target(%dma_start3A_52 : memref<15632xf32, #tpu.memory_space<vmem>>) target_semaphore(%arg9 : memref<!tpu.dma_semaphore, #tpu.memory_space<semaphore_mem>>)
    %add3A_54 = arith.constant 15632 : i32
    %add3A_55 = arith.addi %select_n3A, %add3A_54 : i32
    %sub3A = arith.constant 15632 : i32
    %sub3A_56 = arith.subi %select_n3A_6, %sub3A : i32
    %sub3A_57 = arith.constant 15632 : i32
    %sub3A_58 = arith.subi %select_n3A_6, %sub3A_57 : i32
    %dma_start3A_59 = arith.constant 15632 : i32
    %dma_start3A_60 = tpu.memref_slice %arg5[%dma_start3A_59] <%sub3A_58> : memref<31264xf32, #tpu.memory_space<vmem>> -> memref<?xf32, #tpu.memory_space<vmem>>
    %dma_start3A_61 = tpu.memref_slice %arg2[%add3A_55] <%sub3A_56> : memref<1000000xf32, #tpu.memory_space<hbm>> -> memref<?xf32, #tpu.memory_space<hbm>>
    %dma_start3A_62 = arith.constant 15632 : i32
    %dma_start3A_63 = tpu.memref_slice %arg5[%dma_start3A_62] <%sub3A_58> : memref<31264xf32, #tpu.memory_space<vmem>> -> memref<?xf32, #tpu.memory_space<vmem>>
    %dma_start3A_64 = tpu.memref_slice %arg2[%add3A_55] <%sub3A_56> : memref<1000000xf32, #tpu.memory_space<hbm>> -> memref<?xf32, #tpu.memory_space<hbm>>
    tpu.enqueue_dma source(%dma_start3A_64 : memref<?xf32, #tpu.memory_space<hbm>>) target(%dma_start3A_63 : memref<?xf32, #tpu.memory_space<vmem>>) target_semaphore(%arg10 : memref<!tpu.dma_semaphore, #tpu.memory_space<semaphore_mem>>)
    %iota3A = tpu.iota {dimensions = array<i32: 0>} : vector<16xi32>
    %convert_element_type3A = arith.sitofp %iota3A : vector<16xi32> to vector<16xf32>
    %convert_element_type3A_65 = arith.sitofp %select_n3A : i32 to f32
    %broadcast_in_dim3A = arith.constant 0.000000e+00 : f32
    %broadcast_in_dim3A_66 = vector.broadcast %broadcast_in_dim3A : f32 to vector<16xf32>
    %broadcast_in_dim3A_67 = arith.constant 0xFF800000 : f32
    %broadcast_in_dim3A_68 = vector.broadcast %broadcast_in_dim3A_67 : f32 to vector<16xf32>
    %add3A_69 = vector.broadcast %convert_element_type3A_65 : f32 to vector<16xf32>
    %add3A_70 = arith.addf %add3A_69, %convert_element_type3A : vector<16xf32>
    %dma_wait3A = arith.constant 0 : i32
    %dma_wait3A_71 = tpu.memref_slice %arg5[%dma_wait3A] : memref<31264xf32, #tpu.memory_space<vmem>> -> memref<15632xf32, #tpu.memory_space<vmem>>
    %dma_wait3A_72 = tpu.memref_slice %arg2[%select_n3A] : memref<1000000xf32, #tpu.memory_space<hbm>> -> memref<15632xf32, #tpu.memory_space<hbm>>
    %dma_wait3A_73 = arith.constant 0 : i32
    %dma_wait3A_74 = tpu.memref_slice %arg5[%dma_wait3A_73] : memref<31264xf32, #tpu.memory_space<vmem>> -> memref<15632xf32, #tpu.memory_space<vmem>>
    %dma_wait3A_75 = tpu.memref_slice %arg2[%select_n3A] : memref<1000000xf32, #tpu.memory_space<hbm>> -> memref<15632xf32, #tpu.memory_space<hbm>>
    tpu.wait_dma2 semaphore(%arg9 : memref<!tpu.dma_semaphore, #tpu.memory_space<semaphore_mem>>) src(%dma_wait3A_75 : memref<15632xf32, #tpu.memory_space<hbm>>) dst(%dma_wait3A_74 : memref<15632xf32, #tpu.memory_space<vmem>>)
    %parallel_loop3A_76 = arith.constant 0 : i32
    %parallel_loop3A_77 = arith.constant 15616 : i32
    %parallel_loop3A_78 = arith.constant 64 : i32
    %parallel_loop3A_79:13 = scf.for %parallel_loop3A_181 = %parallel_loop3A_76 to %parallel_loop3A_77 step %parallel_loop3A_78 iter_args(%parallel_loop3A_182 = %broadcast_in_dim3A_66, %parallel_loop3A_183 = %broadcast_in_dim3A_66, %parallel_loop3A_184 = %broadcast_in_dim3A_66, %parallel_loop3A_185 = %broadcast_in_dim3A_66, %parallel_loop3A_186 = %broadcast_in_dim3A_68, %parallel_loop3A_187 = %broadcast_in_dim3A_68, %parallel_loop3A_188 = %broadcast_in_dim3A_68, %parallel_loop3A_189 = %broadcast_in_dim3A_68, %parallel_loop3A_190 = %broadcast_in_dim3A_66, %parallel_loop3A_191 = %broadcast_in_dim3A_66, %parallel_loop3A_192 = %broadcast_in_dim3A_66, %parallel_loop3A_193 = %broadcast_in_dim3A_66, %parallel_loop3A_194 = %add3A_70) -> (vector<16xf32>, vector<16xf32>, vector<16xf32>, vector<16xf32>, vector<16xf32>, vector<16xf32>, vector<16xf32>, vector<16xf32>, vector<16xf32>, vector<16xf32>, vector<16xf32>, vector<16xf32>, vector<16xf32>)  : i32 {
      %parallel_loop3A_195 = arith.index_cast %parallel_loop3A_181 : i32 to index
      %parallel_loop3A_196 = tpu.vector_load %arg5[%parallel_loop3A_195] {strides = array<i32>} : memref<31264xf32, #tpu.memory_space<vmem>>, vector<16xf32>,
      %parallel_loop3A_197 = vector.shape_cast %parallel_loop3A_196 : vector<16xf32> to vector<16xf32>
      %parallel_loop3A_198 = arith.constant 16 : i32
      %parallel_loop3A_199 = arith.addi %parallel_loop3A_181, %parallel_loop3A_198 : i32
      %parallel_loop3A_200 = arith.index_cast %parallel_loop3A_199 : i32 to index
      %parallel_loop3A_201 = tpu.vector_load %arg5[%parallel_loop3A_200] {strides = array<i32>} : memref<31264xf32, #tpu.memory_space<vmem>>, vector<16xf32>,
      %parallel_loop3A_202 = vector.shape_cast %parallel_loop3A_201 : vector<16xf32> to vector<16xf32>
      %parallel_loop3A_203 = arith.constant 32 : i32
      %parallel_loop3A_204 = arith.addi %parallel_loop3A_181, %parallel_loop3A_203 : i32
      %parallel_loop3A_205 = arith.index_cast %parallel_loop3A_204 : i32 to index
      %parallel_loop3A_206 = tpu.vector_load %arg5[%parallel_loop3A_205] {strides = array<i32>} : memref<31264xf32, #tpu.memory_space<vmem>>, vector<16xf32>,
      %parallel_loop3A_207 = vector.shape_cast %parallel_loop3A_206 : vector<16xf32> to vector<16xf32>
      %parallel_loop3A_208 = arith.constant 48 : i32
      %parallel_loop3A_209 = arith.addi %parallel_loop3A_181, %parallel_loop3A_208 : i32
      %parallel_loop3A_210 = arith.index_cast %parallel_loop3A_209 : i32 to index
      %parallel_loop3A_211 = tpu.vector_load %arg5[%parallel_loop3A_210] {strides = array<i32>} : memref<31264xf32, #tpu.memory_space<vmem>>, vector<16xf32>,
      %parallel_loop3A_212 = vector.shape_cast %parallel_loop3A_211 : vector<16xf32> to vector<16xf32>
      %parallel_loop3A_213 = math.absf %parallel_loop3A_197 : vector<16xf32>
      %parallel_loop3A_214 = arith.addf %parallel_loop3A_182, %parallel_loop3A_213 : vector<16xf32>
      %parallel_loop3A_215 = math.absf %parallel_loop3A_202 : vector<16xf32>
      %parallel_loop3A_216 = arith.addf %parallel_loop3A_183, %parallel_loop3A_215 : vector<16xf32>
      %parallel_loop3A_217 = math.absf %parallel_loop3A_207 : vector<16xf32>
      %parallel_loop3A_218 = arith.addf %parallel_loop3A_184, %parallel_loop3A_217 : vector<16xf32>
      %parallel_loop3A_219 = math.absf %parallel_loop3A_212 : vector<16xf32>
      %parallel_loop3A_220 = arith.addf %parallel_loop3A_185, %parallel_loop3A_219 : vector<16xf32>
      %parallel_loop3A_221 = arith.cmpf ogt, %parallel_loop3A_197, %parallel_loop3A_186 : vector<16xf32>
      %parallel_loop3A_222 = arith.cmpf ogt, %parallel_loop3A_202, %parallel_loop3A_187 : vector<16xf32>
      %parallel_loop3A_223 = arith.cmpf ogt, %parallel_loop3A_207, %parallel_loop3A_188 : vector<16xf32>
      %parallel_loop3A_224 = arith.cmpf ogt, %parallel_loop3A_212, %parallel_loop3A_189 : vector<16xf32>
      %parallel_loop3A_225 = arith.select %parallel_loop3A_221, %parallel_loop3A_197, %parallel_loop3A_186 : vector<16xi1>, vector<16xf32>
      %parallel_loop3A_226 = arith.select %parallel_loop3A_222, %parallel_loop3A_202, %parallel_loop3A_187 : vector<16xi1>, vector<16xf32>
      %parallel_loop3A_227 = arith.select %parallel_loop3A_223, %parallel_loop3A_207, %parallel_loop3A_188 : vector<16xi1>, vector<16xf32>
      %parallel_loop3A_228 = arith.select %parallel_loop3A_224, %parallel_loop3A_212, %parallel_loop3A_189 : vector<16xi1>, vector<16xf32>
      %parallel_loop3A_229 = arith.select %parallel_loop3A_221, %parallel_loop3A_194, %parallel_loop3A_190 : vector<16xi1>, vector<16xf32>
      %parallel_loop3A_230 = arith.constant 1.600000e+01 : f32
      %parallel_loop3A_231 = vector.broadcast %parallel_loop3A_230 : f32 to vector<16xf32>
      %parallel_loop3A_232 = arith.addf %parallel_loop3A_194, %parallel_loop3A_231 : vector<16xf32>
      %parallel_loop3A_233 = arith.select %parallel_loop3A_222, %parallel_loop3A_232, %parallel_loop3A_191 : vector<16xi1>, vector<16xf32>
      %parallel_loop3A_234 = arith.constant 3.200000e+01 : f32
      %parallel_loop3A_235 = vector.broadcast %parallel_loop3A_234 : f32 to vector<16xf32>
      %parallel_loop3A_236 = arith.addf %parallel_loop3A_194, %parallel_loop3A_235 : vector<16xf32>
      %parallel_loop3A_237 = arith.select %parallel_loop3A_223, %parallel_loop3A_236, %parallel_loop3A_192 : vector<16xi1>, vector<16xf32>
      %parallel_loop3A_238 = arith.constant 4.800000e+01 : f32
      %parallel_loop3A_239 = vector.broadcast %parallel_loop3A_238 : f32 to vector<16xf32>
      %parallel_loop3A_240 = arith.addf %parallel_loop3A_194, %parallel_loop3A_239 : vector<16xf32>
      %parallel_loop3A_241 = arith.select %parallel_loop3A_224, %parallel_loop3A_240, %parallel_loop3A_193 : vector<16xi1>, vector<16xf32>
      %parallel_loop3A_242 = arith.constant 6.400000e+01 : f32
      %parallel_loop3A_243 = vector.broadcast %parallel_loop3A_242 : f32 to vector<16xf32>
      %parallel_loop3A_244 = arith.addf %parallel_loop3A_194, %parallel_loop3A_243 : vector<16xf32>
      scf.yield %parallel_loop3A_214, %parallel_loop3A_216, %parallel_loop3A_218, %parallel_loop3A_220, %parallel_loop3A_225, %parallel_loop3A_226, %parallel_loop3A_227, %parallel_loop3A_228, %parallel_loop3A_229, %parallel_loop3A_233, %parallel_loop3A_237, %parallel_loop3A_241, %parallel_loop3A_244 : vector<16xf32>, vector<16xf32>, vector<16xf32>, vector<16xf32>, vector<16xf32>, vector<16xf32>, vector<16xf32>, vector<16xf32>, vector<16xf32>, vector<16xf32>, vector<16xf32>, vector<16xf32>, vector<16xf32>
    } {sc.loop_unroll_factor = 2 : i64, sc.parallel_access}
    %dma_wait3A_80 = arith.constant 15632 : i32
    %dma_wait3A_81 = tpu.memref_slice %arg5[%dma_wait3A_80] <%sub3A_58> : memref<31264xf32, #tpu.memory_space<vmem>> -> memref<?xf32, #tpu.memory_space<vmem>>
    %dma_wait3A_82 = tpu.memref_slice %arg2[%add3A_55] <%sub3A_56> : memref<1000000xf32, #tpu.memory_space<hbm>> -> memref<?xf32, #tpu.memory_space<hbm>>
    %dma_wait3A_83 = arith.constant 15632 : i32
    %dma_wait3A_84 = tpu.memref_slice %arg5[%dma_wait3A_83] <%sub3A_58> : memref<31264xf32, #tpu.memory_space<vmem>> -> memref<?xf32, #tpu.memory_space<vmem>>
    %dma_wait3A_85 = tpu.memref_slice %arg2[%add3A_55] <%sub3A_56> : memref<1000000xf32, #tpu.memory_space<hbm>> -> memref<?xf32, #tpu.memory_space<hbm>>
    tpu.wait_dma2 semaphore(%arg10 : memref<!tpu.dma_semaphore, #tpu.memory_space<semaphore_mem>>) src(%dma_wait3A_85 : memref<?xf32, #tpu.memory_space<hbm>>) dst(%dma_wait3A_84 : memref<?xf32, #tpu.memory_space<vmem>>)
    %add3A_86 = arith.constant 1.600000e+01 : f32
    %add3A_87 = vector.broadcast %add3A_86 : f32 to vector<16xf32>
    %add3A_88 = arith.addf %parallel_loop3A_79#12, %add3A_87 : vector<16xf32>
    %sub3A_89 = arith.constant 16 : i32
    %sub3A_90 = arith.subi %select_n3A_6, %sub3A_89 : i32
    %parallel_loop3A_91 = arith.constant 15632 : i32
    %parallel_loop3A_92 = arith.constant 64 : i32
    %parallel_loop3A_93:13 = scf.for %parallel_loop3A_181 = %parallel_loop3A_91 to %sub3A_90 step %parallel_loop3A_92 iter_args(%parallel_loop3A_182 = %parallel_loop3A_79#0, %parallel_loop3A_183 = %parallel_loop3A_79#1, %parallel_loop3A_184 = %parallel_loop3A_79#2, %parallel_loop3A_185 = %parallel_loop3A_79#3, %parallel_loop3A_186 = %parallel_loop3A_79#4, %parallel_loop3A_187 = %parallel_loop3A_79#5, %parallel_loop3A_188 = %parallel_loop3A_79#6, %parallel_loop3A_189 = %parallel_loop3A_79#7, %parallel_loop3A_190 = %parallel_loop3A_79#8, %parallel_loop3A_191 = %parallel_loop3A_79#9, %parallel_loop3A_192 = %parallel_loop3A_79#10, %parallel_loop3A_193 = %parallel_loop3A_79#11, %parallel_loop3A_194 = %add3A_88) -> (vector<16xf32>, vector<16xf32>, vector<16xf32>, vector<16xf32>, vector<16xf32>, vector<16xf32>, vector<16xf32>, vector<16xf32>, vector<16xf32>, vector<16xf32>, vector<16xf32>, vector<16xf32>, vector<16xf32>)  : i32 {
      %parallel_loop3A_195 = arith.index_cast %parallel_loop3A_181 : i32 to index
      %parallel_loop3A_196 = tpu.vector_load %arg5[%parallel_loop3A_195] {strides = array<i32>} : memref<31264xf32, #tpu.memory_space<vmem>>, vector<16xf32>,
      %parallel_loop3A_197 = vector.shape_cast %parallel_loop3A_196 : vector<16xf32> to vector<16xf32>
      %parallel_loop3A_198 = arith.constant 16 : i32
      %parallel_loop3A_199 = arith.addi %parallel_loop3A_181, %parallel_loop3A_198 : i32
      %parallel_loop3A_200 = arith.index_cast %parallel_loop3A_199 : i32 to index
      %parallel_loop3A_201 = tpu.vector_load %arg5[%parallel_loop3A_200] {strides = array<i32>} : memref<31264xf32, #tpu.memory_space<vmem>>, vector<16xf32>,
      %parallel_loop3A_202 = vector.shape_cast %parallel_loop3A_201 : vector<16xf32> to vector<16xf32>
      %parallel_loop3A_203 = arith.constant 32 : i32
      %parallel_loop3A_204 = arith.addi %parallel_loop3A_181, %parallel_loop3A_203 : i32
      %parallel_loop3A_205 = arith.index_cast %parallel_loop3A_204 : i32 to index
      %parallel_loop3A_206 = tpu.vector_load %arg5[%parallel_loop3A_205] {strides = array<i32>} : memref<31264xf32, #tpu.memory_space<vmem>>, vector<16xf32>,
      %parallel_loop3A_207 = vector.shape_cast %parallel_loop3A_206 : vector<16xf32> to vector<16xf32>
      %parallel_loop3A_208 = arith.constant 48 : i32
      %parallel_loop3A_209 = arith.addi %parallel_loop3A_181, %parallel_loop3A_208 : i32
      %parallel_loop3A_210 = arith.index_cast %parallel_loop3A_209 : i32 to index
      %parallel_loop3A_211 = tpu.vector_load %arg5[%parallel_loop3A_210] {strides = array<i32>} : memref<31264xf32, #tpu.memory_space<vmem>>, vector<16xf32>,
      %parallel_loop3A_212 = vector.shape_cast %parallel_loop3A_211 : vector<16xf32> to vector<16xf32>
      %parallel_loop3A_213 = math.absf %parallel_loop3A_197 : vector<16xf32>
      %parallel_loop3A_214 = arith.addf %parallel_loop3A_182, %parallel_loop3A_213 : vector<16xf32>
      %parallel_loop3A_215 = math.absf %parallel_loop3A_202 : vector<16xf32>
      %parallel_loop3A_216 = arith.addf %parallel_loop3A_183, %parallel_loop3A_215 : vector<16xf32>
      %parallel_loop3A_217 = math.absf %parallel_loop3A_207 : vector<16xf32>
      %parallel_loop3A_218 = arith.addf %parallel_loop3A_184, %parallel_loop3A_217 : vector<16xf32>
      %parallel_loop3A_219 = math.absf %parallel_loop3A_212 : vector<16xf32>
      %parallel_loop3A_220 = arith.addf %parallel_loop3A_185, %parallel_loop3A_219 : vector<16xf32>
      %parallel_loop3A_221 = arith.cmpf ogt, %parallel_loop3A_197, %parallel_loop3A_186 : vector<16xf32>
      %parallel_loop3A_222 = arith.cmpf ogt, %parallel_loop3A_202, %parallel_loop3A_187 : vector<16xf32>
      %parallel_loop3A_223 = arith.cmpf ogt, %parallel_loop3A_207, %parallel_loop3A_188 : vector<16xf32>
      %parallel_loop3A_224 = arith.cmpf ogt, %parallel_loop3A_212, %parallel_loop3A_189 : vector<16xf32>
      %parallel_loop3A_225 = arith.select %parallel_loop3A_221, %parallel_loop3A_197, %parallel_loop3A_186 : vector<16xi1>, vector<16xf32>
      %parallel_loop3A_226 = arith.select %parallel_loop3A_222, %parallel_loop3A_202, %parallel_loop3A_187 : vector<16xi1>, vector<16xf32>
      %parallel_loop3A_227 = arith.select %parallel_loop3A_223, %parallel_loop3A_207, %parallel_loop3A_188 : vector<16xi1>, vector<16xf32>
      %parallel_loop3A_228 = arith.select %parallel_loop3A_224, %parallel_loop3A_212, %parallel_loop3A_189 : vector<16xi1>, vector<16xf32>
      %parallel_loop3A_229 = arith.select %parallel_loop3A_221, %parallel_loop3A_194, %parallel_loop3A_190 : vector<16xi1>, vector<16xf32>
      %parallel_loop3A_230 = arith.constant 1.600000e+01 : f32
      %parallel_loop3A_231 = vector.broadcast %parallel_loop3A_230 : f32 to vector<16xf32>
      %parallel_loop3A_232 = arith.addf %parallel_loop3A_194, %parallel_loop3A_231 : vector<16xf32>
      %parallel_loop3A_233 = arith.select %parallel_loop3A_222, %parallel_loop3A_232, %parallel_loop3A_191 : vector<16xi1>, vector<16xf32>
      %parallel_loop3A_234 = arith.constant 3.200000e+01 : f32
      %parallel_loop3A_235 = vector.broadcast %parallel_loop3A_234 : f32 to vector<16xf32>
      %parallel_loop3A_236 = arith.addf %parallel_loop3A_194, %parallel_loop3A_235 : vector<16xf32>
      %parallel_loop3A_237 = arith.select %parallel_loop3A_223, %parallel_loop3A_236, %parallel_loop3A_192 : vector<16xi1>, vector<16xf32>
      %parallel_loop3A_238 = arith.constant 4.800000e+01 : f32
      %parallel_loop3A_239 = vector.broadcast %parallel_loop3A_238 : f32 to vector<16xf32>
      %parallel_loop3A_240 = arith.addf %parallel_loop3A_194, %parallel_loop3A_239 : vector<16xf32>
      %parallel_loop3A_241 = arith.select %parallel_loop3A_224, %parallel_loop3A_240, %parallel_loop3A_193 : vector<16xi1>, vector<16xf32>
      %parallel_loop3A_242 = arith.constant 6.400000e+01 : f32
      %parallel_loop3A_243 = vector.broadcast %parallel_loop3A_242 : f32 to vector<16xf32>
      %parallel_loop3A_244 = arith.addf %parallel_loop3A_194, %parallel_loop3A_243 : vector<16xf32>
      scf.yield %parallel_loop3A_214, %parallel_loop3A_216, %parallel_loop3A_218, %parallel_loop3A_220, %parallel_loop3A_225, %parallel_loop3A_226, %parallel_loop3A_227, %parallel_loop3A_228, %parallel_loop3A_229, %parallel_loop3A_233, %parallel_loop3A_237, %parallel_loop3A_241, %parallel_loop3A_244 : vector<16xf32>, vector<16xf32>, vector<16xf32>, vector<16xf32>, vector<16xf32>, vector<16xf32>, vector<16xf32>, vector<16xf32>, vector<16xf32>, vector<16xf32>, vector<16xf32>, vector<16xf32>, vector<16xf32>
    } {sc.loop_unroll_factor = 2 : i64, sc.parallel_access}
    %add3A_94 = arith.constant 1.561600e+04 : f32
    %add3A_95 = arith.addf %convert_element_type3A_65, %add3A_94 : f32
    %add3A_96 = vector.broadcast %add3A_95 : f32 to vector<16xf32>
    %add3A_97 = arith.addf %add3A_96, %convert_element_type3A : vector<16xf32>
    %sub3A_98 = arith.constant 16 : i32
    %sub3A_99 = arith.subi %select_n3A_6, %sub3A_98 : i32
    %convert_element_type3A_100 = arith.sitofp %sub3A_99 : i32 to f32
    %add3A_101 = arith.addf %convert_element_type3A_65, %convert_element_type3A_100 : f32
    %add3A_102 = vector.broadcast %add3A_101 : f32 to vector<16xf32>
    %add3A_103 = arith.addf %add3A_102, %convert_element_type3A : vector<16xf32>
    %get3A = arith.constant 15616 : index
    %get3A_104 = tpu.vector_load %arg5[%get3A] {strides = array<i32>} : memref<31264xf32, #tpu.memory_space<vmem>>, vector<16xf32>,
    %get3A_105 = vector.shape_cast %get3A_104 : vector<16xf32> to vector<16xf32>
    %gt3A = arith.cmpf ogt, %get3A_105, %parallel_loop3A_93#4 : vector<16xf32>
    %abs3A = math.absf %get3A_105 : vector<16xf32>
    %add3A_106 = arith.addf %parallel_loop3A_93#0, %abs3A : vector<16xf32>
    %select_n3A_107 = arith.select %gt3A, %get3A_105, %parallel_loop3A_93#4 : vector<16xi1>, vector<16xf32>
    %select_n3A_108 = arith.select %gt3A, %add3A_97, %parallel_loop3A_93#8 : vector<16xi1>, vector<16xf32>
    %sub3A_109 = arith.constant 16 : i32
    %sub3A_110 = arith.subi %select_n3A_6, %sub3A_109 : i32
    %get3A_111 = arith.index_cast %sub3A_110 : i32 to index
    %get3A_112 = tpu.vector_load %arg5[%get3A_111] {strides = array<i32>} : memref<31264xf32, #tpu.memory_space<vmem>>, vector<16xf32>,
    %get3A_113 = vector.shape_cast %get3A_112 : vector<16xf32> to vector<16xf32>
    %gt3A_114 = arith.cmpf ogt, %get3A_113, %parallel_loop3A_93#5 : vector<16xf32>
    %abs3A_115 = math.absf %get3A_113 : vector<16xf32>
    %add3A_116 = arith.addf %parallel_loop3A_93#1, %abs3A_115 : vector<16xf32>
    %select_n3A_117 = arith.select %gt3A_114, %get3A_113, %parallel_loop3A_93#5 : vector<16xi1>, vector<16xf32>
    %select_n3A_118 = arith.select %gt3A_114, %add3A_103, %parallel_loop3A_93#9 : vector<16xi1>, vector<16xf32>
    %add3A_119 = arith.addf %add3A_106, %add3A_116 : vector<16xf32>
    %add3A_120 = arith.addf %parallel_loop3A_93#2, %parallel_loop3A_93#3 : vector<16xf32>
    %add3A_121 = arith.addf %add3A_119, %add3A_120 : vector<16xf32>
    %gt3A_122 = arith.cmpf ogt, %select_n3A_117, %select_n3A_107 : vector<16xf32>
    %eq3A_123 = arith.cmpf oeq, %select_n3A_117, %select_n3A_107 : vector<16xf32>
    %lt3A = arith.cmpf olt, %select_n3A_118, %select_n3A_108 : vector<16xf32>
    %and3A = arith.andi %eq3A_123, %lt3A : vector<16xi1>
    %or3A = arith.ori %gt3A_122, %and3A : vector<16xi1>
    %select_n3A_124 = arith.select %or3A, %select_n3A_117, %select_n3A_107 : vector<16xi1>, vector<16xf32>
    %select_n3A_125 = arith.select %or3A, %select_n3A_118, %select_n3A_108 : vector<16xi1>, vector<16xf32>
    %gt3A_126 = arith.cmpf ogt, %parallel_loop3A_93#7, %parallel_loop3A_93#6 : vector<16xf32>
    %eq3A_127 = arith.cmpf oeq, %parallel_loop3A_93#7, %parallel_loop3A_93#6 : vector<16xf32>
    %lt3A_128 = arith.cmpf olt, %parallel_loop3A_93#11, %parallel_loop3A_93#10 : vector<16xf32>
    %and3A_129 = arith.andi %eq3A_127, %lt3A_128 : vector<16xi1>
    %or3A_130 = arith.ori %gt3A_126, %and3A_129 : vector<16xi1>
    %select_n3A_131 = arith.select %or3A_130, %parallel_loop3A_93#7, %parallel_loop3A_93#6 : vector<16xi1>, vector<16xf32>
    %select_n3A_132 = arith.select %or3A_130, %parallel_loop3A_93#11, %parallel_loop3A_93#10 : vector<16xi1>, vector<16xf32>
    %gt3A_133 = arith.cmpf ogt, %select_n3A_131, %select_n3A_124 : vector<16xf32>
    %eq3A_134 = arith.cmpf oeq, %select_n3A_131, %select_n3A_124 : vector<16xf32>
    %lt3A_135 = arith.cmpf olt, %select_n3A_132, %select_n3A_125 : vector<16xf32>
    %and3A_136 = arith.andi %eq3A_134, %lt3A_135 : vector<16xi1>
    %or3A_137 = arith.ori %gt3A_133, %and3A_136 : vector<16xi1>
    %select_n3A_138 = arith.select %or3A_137, %select_n3A_131, %select_n3A_124 : vector<16xi1>, vector<16xf32>
    %select_n3A_139 = arith.select %or3A_137, %select_n3A_132, %select_n3A_125 : vector<16xi1>, vector<16xf32>
    %swap3A = arith.constant 0 : index
    %swap3A_140 = tpu.vector_load %arg7[%swap3A] {strides = array<i32>} : memref<48xf32, #tpu.memory_space<vmem>>, vector<16xf32>,
    %swap3A_141 = vector.shape_cast %swap3A_140 : vector<16xf32> to vector<16xf32>
    %swap3A_142 = vector.shape_cast %add3A_121 : vector<16xf32> to vector<16xf32>
    tpu.vector_store %arg7[%swap3A], %swap3A_142 {strides = array<i32>} : memref<48xf32, #tpu.memory_space<vmem>>, vector<16xf32>,
    %swap3A_143 = arith.constant 16 : index
    %swap3A_144 = tpu.vector_load %arg7[%swap3A_143] {strides = array<i32>} : memref<48xf32, #tpu.memory_space<vmem>>, vector<16xf32>,
    %swap3A_145 = vector.shape_cast %swap3A_144 : vector<16xf32> to vector<16xf32>
    %swap3A_146 = vector.shape_cast %select_n3A_138 : vector<16xf32> to vector<16xf32>
    tpu.vector_store %arg7[%swap3A_143], %swap3A_146 {strides = array<i32>} : memref<48xf32, #tpu.memory_space<vmem>>, vector<16xf32>,
    %swap3A_147 = arith.constant 32 : index
    %swap3A_148 = tpu.vector_load %arg7[%swap3A_147] {strides = array<i32>} : memref<48xf32, #tpu.memory_space<vmem>>, vector<16xf32>,
    %swap3A_149 = vector.shape_cast %swap3A_148 : vector<16xf32> to vector<16xf32>
    %swap3A_150 = vector.shape_cast %select_n3A_139 : vector<16xf32> to vector<16xf32>
    tpu.vector_store %arg7[%swap3A_147], %swap3A_150 {strides = array<i32>} : memref<48xf32, #tpu.memory_space<vmem>>, vector<16xf32>,
    %mul3A_151 = arith.constant 16 : i32
    %mul3A_152 = arith.muli %add3A, %mul3A_151 : i32
    "tpu.region"() ({
      %run_scoped3A = tpu.sem_alloc : memref<!tpu.dma_semaphore, #tpu.memory_space<semaphore_mem>>
      %dma_start3A_181 = arith.constant 0 : i32
      %dma_start3A_182 = tpu.memref_slice %arg7[%dma_start3A_181] : memref<48xf32, #tpu.memory_space<vmem>> -> memref<16xf32, #tpu.memory_space<vmem>>
      %dma_start3A_183 = tpu.memref_slice %arg4[%mul3A_152] : memref<1536xf32, #tpu.memory_space<hbm>> -> memref<16xf32, #tpu.memory_space<hbm>>
      %dma_start3A_184 = tpu.memref_slice %arg4[%mul3A_152] : memref<1536xf32, #tpu.memory_space<hbm>> -> memref<16xf32, #tpu.memory_space<hbm>>
      %dma_start3A_185 = arith.constant 0 : i32
      %dma_start3A_186 = tpu.memref_slice %arg7[%dma_start3A_185] : memref<48xf32, #tpu.memory_space<vmem>> -> memref<16xf32, #tpu.memory_space<vmem>>
      tpu.enqueue_dma source(%dma_start3A_186 : memref<16xf32, #tpu.memory_space<vmem>>) target(%dma_start3A_184 : memref<16xf32, #tpu.memory_space<hbm>>) target_semaphore(%run_scoped3A : memref<!tpu.dma_semaphore, #tpu.memory_space<semaphore_mem>>)
      %dma_wait3A_187 = arith.constant 0 : i32
      %dma_wait3A_188 = tpu.memref_slice %arg7[%dma_wait3A_187] : memref<48xf32, #tpu.memory_space<vmem>> -> memref<16xf32, #tpu.memory_space<vmem>>
      %dma_wait3A_189 = tpu.memref_slice %arg4[%mul3A_152] : memref<1536xf32, #tpu.memory_space<hbm>> -> memref<16xf32, #tpu.memory_space<hbm>>
      %dma_wait3A_190 = tpu.memref_slice %arg4[%mul3A_152] : memref<1536xf32, #tpu.memory_space<hbm>> -> memref<16xf32, #tpu.memory_space<hbm>>
      %dma_wait3A_191 = arith.constant 0 : i32
      %dma_wait3A_192 = tpu.memref_slice %arg7[%dma_wait3A_191] : memref<48xf32, #tpu.memory_space<vmem>> -> memref<16xf32, #tpu.memory_space<vmem>>
      tpu.wait_dma2 semaphore(%run_scoped3A : memref<!tpu.dma_semaphore, #tpu.memory_space<semaphore_mem>>) src(%dma_wait3A_192 : memref<16xf32, #tpu.memory_space<vmem>>) dst(%dma_wait3A_190 : memref<16xf32, #tpu.memory_space<hbm>>)
      tpu.yield
    }) : () -> ()
    %mul3A_153 = arith.constant 16 : i32
    %mul3A_154 = arith.muli %add3A, %mul3A_153 : i32
    %add3A_155 = arith.constant 512 : i32
    %add3A_156 = arith.addi %add3A_155, %mul3A_154 : i32
    "tpu.region"() ({
      %run_scoped3A = tpu.sem_alloc : memref<!tpu.dma_semaphore, #tpu.memory_space<semaphore_mem>>
      %dma_start3A_181 = arith.constant 16 : i32
      %dma_start3A_182 = tpu.memref_slice %arg7[%dma_start3A_181] : memref<48xf32, #tpu.memory_space<vmem>> -> memref<16xf32, #tpu.memory_space<vmem>>
      %dma_start3A_183 = tpu.memref_slice %arg4[%add3A_156] : memref<1536xf32, #tpu.memory_space<hbm>> -> memref<16xf32, #tpu.memory_space<hbm>>
      %dma_start3A_184 = tpu.memref_slice %arg4[%add3A_156] : memref<1536xf32, #tpu.memory_space<hbm>> -> memref<16xf32, #tpu.memory_space<hbm>>
      %dma_start3A_185 = arith.constant 16 : i32
      %dma_start3A_186 = tpu.memref_slice %arg7[%dma_start3A_185] : memref<48xf32, #tpu.memory_space<vmem>> -> memref<16xf32, #tpu.memory_space<vmem>>
      tpu.enqueue_dma source(%dma_start3A_186 : memref<16xf32, #tpu.memory_space<vmem>>) target(%dma_start3A_184 : memref<16xf32, #tpu.memory_space<hbm>>) target_semaphore(%run_scoped3A : memref<!tpu.dma_semaphore, #tpu.memory_space<semaphore_mem>>)
      %dma_wait3A_187 = arith.constant 16 : i32
      %dma_wait3A_188 = tpu.memref_slice %arg7[%dma_wait3A_187] : memref<48xf32, #tpu.memory_space<vmem>> -> memref<16xf32, #tpu.memory_space<vmem>>
      %dma_wait3A_189 = tpu.memref_slice %arg4[%add3A_156] : memref<1536xf32, #tpu.memory_space<hbm>> -> memref<16xf32, #tpu.memory_space<hbm>>
      %dma_wait3A_190 = tpu.memref_slice %arg4[%add3A_156] : memref<1536xf32, #tpu.memory_space<hbm>> -> memref<16xf32, #tpu.memory_space<hbm>>
      %dma_wait3A_191 = arith.constant 16 : i32
      %dma_wait3A_192 = tpu.memref_slice %arg7[%dma_wait3A_191] : memref<48xf32, #tpu.memory_space<vmem>> -> memref<16xf32, #tpu.memory_space<vmem>>
      tpu.wait_dma2 semaphore(%run_scoped3A : memref<!tpu.dma_semaphore, #tpu.memory_space<semaphore_mem>>) src(%dma_wait3A_192 : memref<16xf32, #tpu.memory_space<vmem>>) dst(%dma_wait3A_190 : memref<16xf32, #tpu.memory_space<hbm>>)
      tpu.yield
    }) : () -> ()
    %mul3A_157 = arith.constant 16 : i32
    %mul3A_158 = arith.muli %add3A, %mul3A_157 : i32
    %add3A_159 = arith.constant 1024 : i32
    %add3A_160 = arith.addi %add3A_159, %mul3A_158 : i32
    "tpu.region"() ({
      %run_scoped3A = tpu.sem_alloc : memref<!tpu.dma_semaphore, #tpu.memory_space<semaphore_mem>>
      %dma_start3A_181 = arith.constant 32 : i32
      %dma_start3A_182 = tpu.memref_slice %arg7[%dma_start3A_181] : memref<48xf32, #tpu.memory_space<vmem>> -> memref<16xf32, #tpu.memory_space<vmem>>
      %dma_start3A_183 = tpu.memref_slice %arg4[%add3A_160] : memref<1536xf32, #tpu.memory_space<hbm>> -> memref<16xf32, #tpu.memory_space<hbm>>
      %dma_start3A_184 = tpu.memref_slice %arg4[%add3A_160] : memref<1536xf32, #tpu.memory_space<hbm>> -> memref<16xf32, #tpu.memory_space<hbm>>
      %dma_start3A_185 = arith.constant 32 : i32
      %dma_start3A_186 = tpu.memref_slice %arg7[%dma_start3A_185] : memref<48xf32, #tpu.memory_space<vmem>> -> memref<16xf32, #tpu.memory_space<vmem>>
      tpu.enqueue_dma source(%dma_start3A_186 : memref<16xf32, #tpu.memory_space<vmem>>) target(%dma_start3A_184 : memref<16xf32, #tpu.memory_space<hbm>>) target_semaphore(%run_scoped3A : memref<!tpu.dma_semaphore, #tpu.memory_space<semaphore_mem>>)
      %dma_wait3A_187 = arith.constant 32 : i32
      %dma_wait3A_188 = tpu.memref_slice %arg7[%dma_wait3A_187] : memref<48xf32, #tpu.memory_space<vmem>> -> memref<16xf32, #tpu.memory_space<vmem>>
      %dma_wait3A_189 = tpu.memref_slice %arg4[%add3A_160] : memref<1536xf32, #tpu.memory_space<hbm>> -> memref<16xf32, #tpu.memory_space<hbm>>
      %dma_wait3A_190 = tpu.memref_slice %arg4[%add3A_160] : memref<1536xf32, #tpu.memory_space<hbm>> -> memref<16xf32, #tpu.memory_space<hbm>>
      %dma_wait3A_191 = arith.constant 32 : i32
      %dma_wait3A_192 = tpu.memref_slice %arg7[%dma_wait3A_191] : memref<48xf32, #tpu.memory_space<vmem>> -> memref<16xf32, #tpu.memory_space<vmem>>
      tpu.wait_dma2 semaphore(%run_scoped3A : memref<!tpu.dma_semaphore, #tpu.memory_space<semaphore_mem>>) src(%dma_wait3A_192 : memref<16xf32, #tpu.memory_space<vmem>>) dst(%dma_wait3A_190 : memref<16xf32, #tpu.memory_space<hbm>>)
      tpu.yield
    }) : () -> ()
    %dma_wait3A_161 = tpu.memref_slice %arg3[%add3A_14] : memref<1000000xf32, #tpu.memory_space<hbm>> -> memref<4096xf32, #tpu.memory_space<hbm>>
    %dma_wait3A_162 = tpu.memref_slice %arg3[%add3A_14] : memref<1000000xf32, #tpu.memory_space<hbm>> -> memref<4096xf32, #tpu.memory_space<hbm>>
    tpu.wait_dma2 semaphore(%arg8 : memref<!tpu.dma_semaphore, #tpu.memory_space<semaphore_mem>>) src(%arg6 : memref<4096xf32, #tpu.memory_space<vmem>>) dst(%dma_wait3A_162 : memref<4096xf32, #tpu.memory_space<hbm>>)
    %dma_wait3A_163 = tpu.memref_slice %arg3[%add3A_17] : memref<1000000xf32, #tpu.memory_space<hbm>> -> memref<4096xf32, #tpu.memory_space<hbm>>
    %dma_wait3A_164 = tpu.memref_slice %arg3[%add3A_17] : memref<1000000xf32, #tpu.memory_space<hbm>> -> memref<4096xf32, #tpu.memory_space<hbm>>
    tpu.wait_dma2 semaphore(%arg8 : memref<!tpu.dma_semaphore, #tpu.memory_space<semaphore_mem>>) src(%arg6 : memref<4096xf32, #tpu.memory_space<vmem>>) dst(%dma_wait3A_164 : memref<4096xf32, #tpu.memory_space<hbm>>)
    %dma_wait3A_165 = tpu.memref_slice %arg3[%add3A_21] : memref<1000000xf32, #tpu.memory_space<hbm>> -> memref<4096xf32, #tpu.memory_space<hbm>>
    %dma_wait3A_166 = tpu.memref_slice %arg3[%add3A_21] : memref<1000000xf32, #tpu.memory_space<hbm>> -> memref<4096xf32, #tpu.memory_space<hbm>>
    tpu.wait_dma2 semaphore(%arg8 : memref<!tpu.dma_semaphore, #tpu.memory_space<semaphore_mem>>) src(%arg6 : memref<4096xf32, #tpu.memory_space<vmem>>) dst(%dma_wait3A_166 : memref<4096xf32, #tpu.memory_space<hbm>>)
    %dma_wait3A_167 = tpu.memref_slice %arg3[%add3A_25] : memref<1000000xf32, #tpu.memory_space<hbm>> -> memref<4096xf32, #tpu.memory_space<hbm>>
    %dma_wait3A_168 = tpu.memref_slice %arg3[%add3A_25] : memref<1000000xf32, #tpu.memory_space<hbm>> -> memref<4096xf32, #tpu.memory_space<hbm>>
    tpu.wait_dma2 semaphore(%arg8 : memref<!tpu.dma_semaphore, #tpu.memory_space<semaphore_mem>>) src(%arg6 : memref<4096xf32, #tpu.memory_space<vmem>>) dst(%dma_wait3A_168 : memref<4096xf32, #tpu.memory_space<hbm>>)
    %dma_wait3A_169 = tpu.memref_slice %arg3[%add3A_29] : memref<1000000xf32, #tpu.memory_space<hbm>> -> memref<4096xf32, #tpu.memory_space<hbm>>
    %dma_wait3A_170 = tpu.memref_slice %arg3[%add3A_29] : memref<1000000xf32, #tpu.memory_space<hbm>> -> memref<4096xf32, #tpu.memory_space<hbm>>
    tpu.wait_dma2 semaphore(%arg8 : memref<!tpu.dma_semaphore, #tpu.memory_space<semaphore_mem>>) src(%arg6 : memref<4096xf32, #tpu.memory_space<vmem>>) dst(%dma_wait3A_170 : memref<4096xf32, #tpu.memory_space<hbm>>)
    %dma_wait3A_171 = tpu.memref_slice %arg3[%add3A_33] : memref<1000000xf32, #tpu.memory_space<hbm>> -> memref<4096xf32, #tpu.memory_space<hbm>>
    %dma_wait3A_172 = tpu.memref_slice %arg3[%add3A_33] : memref<1000000xf32, #tpu.memory_space<hbm>> -> memref<4096xf32, #tpu.memory_space<hbm>>
    tpu.wait_dma2 semaphore(%arg8 : memref<!tpu.dma_semaphore, #tpu.memory_space<semaphore_mem>>) src(%arg6 : memref<4096xf32, #tpu.memory_space<vmem>>) dst(%dma_wait3A_172 : memref<4096xf32, #tpu.memory_space<hbm>>)
    %dma_wait3A_173 = tpu.memref_slice %arg3[%add3A_37] : memref<1000000xf32, #tpu.memory_space<hbm>> -> memref<4096xf32, #tpu.memory_space<hbm>>
    %dma_wait3A_174 = tpu.memref_slice %arg3[%add3A_37] : memref<1000000xf32, #tpu.memory_space<hbm>> -> memref<4096xf32, #tpu.memory_space<hbm>>
    tpu.wait_dma2 semaphore(%arg8 : memref<!tpu.dma_semaphore, #tpu.memory_space<semaphore_mem>>) src(%arg6 : memref<4096xf32, #tpu.memory_space<vmem>>) dst(%dma_wait3A_174 : memref<4096xf32, #tpu.memory_space<hbm>>)
    %dma_wait3A_175 = arith.constant 0 : i32
    %dma_wait3A_176 = tpu.memref_slice %arg6[%dma_wait3A_175] : memref<4096xf32, #tpu.memory_space<vmem>> -> memref<2592xf32, #tpu.memory_space<vmem>>
    %dma_wait3A_177 = tpu.memref_slice %arg3[%add3A_41] : memref<1000000xf32, #tpu.memory_space<hbm>> -> memref<2592xf32, #tpu.memory_space<hbm>>
    %dma_wait3A_178 = tpu.memref_slice %arg3[%add3A_41] : memref<1000000xf32, #tpu.memory_space<hbm>> -> memref<2592xf32, #tpu.memory_space<hbm>>
    %dma_wait3A_179 = arith.constant 0 : i32
    %dma_wait3A_180 = tpu.memref_slice %arg6[%dma_wait3A_179] : memref<4096xf32, #tpu.memory_space<vmem>> -> memref<2592xf32, #tpu.memory_space<vmem>>
    tpu.wait_dma2 semaphore(%arg8 : memref<!tpu.dma_semaphore, #tpu.memory_space<semaphore_mem>>) src(%dma_wait3A_180 : memref<2592xf32, #tpu.memory_space<vmem>>) dst(%dma_wait3A_178 : memref<2592xf32, #tpu.memory_space<hbm>>)
    return
  }
}

module attributes {stable_mosaic.version = 14 : i64} {
  func.func @_patch_body(%arg0: memref<1536xf32, #tpu.memory_space<vmem>>, %arg1: memref<1000000xf32, #tpu.memory_space<any>>, %arg2: memref<1000000xf32, #tpu.memory_space<any>>, %arg3: memref<1x128xf32, #tpu.memory_space<vmem>>, %arg4: memref<!tpu.dma_semaphore, #tpu.memory_space<semaphore_mem>>) attributes {dimension_semantics = [], scalar_prefetch = 0 : i64, scratch_operands = 2 : i64, tpu.core_type = #tpu.core_type<tc>} {
    %get3A = arith.constant 0 : index
    %get3A_0 = vector.load %arg0[%get3A] : memref<1536xf32, #tpu.memory_space<vmem>>, vector<1536xf32>
    %slice3A = vector.extract_strided_slice %get3A_0 {offsets = [0], sizes = [512], strides = [1]} : vector<1536xf32> to vector<512xf32>
    %reduce_sum3A = vector.shape_cast %slice3A : vector<512xf32> to vector<1x512xf32>
    %reduce_sum3A_1 = arith.constant dense<0.000000e+00> : vector<1xf32>
    %reduce_sum3A_2 = vector.multi_reduction <add>, %reduce_sum3A, %reduce_sum3A_1 [1] : vector<1x512xf32> to vector<1xf32>
    %reduce_sum3A_3 = vector.shape_cast %reduce_sum3A_2 : vector<1xf32> to vector<1x1xf32>
    %reduce_sum3A_4 = vector.extract %reduce_sum3A_3[0, 0] : f32 from vector<1x1xf32>
    %slice3A_5 = vector.extract_strided_slice %get3A_0 {offsets = [512], sizes = [512], strides = [1]} : vector<1536xf32> to vector<512xf32>
    %slice3A_6 = vector.extract_strided_slice %get3A_0 {offsets = [1024], sizes = [512], strides = [1]} : vector<1536xf32> to vector<512xf32>
    %reduce_max3A = vector.shape_cast %slice3A_5 : vector<512xf32> to vector<1x512xf32>
    %reduce_max3A_7 = arith.constant dense<0xFF800000> : vector<1xf32>
    %reduce_max3A_8 = vector.multi_reduction <maximumf>, %reduce_max3A, %reduce_max3A_7 [1] : vector<1x512xf32> to vector<1xf32>
    %reduce_max3A_9 = vector.shape_cast %reduce_max3A_8 : vector<1xf32> to vector<1x1xf32>
    %reduce_max3A_10 = vector.extract %reduce_max3A_9[0, 0] : f32 from vector<1x1xf32>
    %eq3A = vector.broadcast %reduce_max3A_10 : f32 to vector<512xf32>
    %eq3A_11 = arith.cmpf oeq, %slice3A_5, %eq3A : vector<512xf32>
    %jit3A = arith.constant 2.000000e+09 : f32
    %broadcast_in_dim3A = vector.broadcast %jit3A : f32 to vector<512xf32>
    %select_n3A = arith.select %eq3A_11, %slice3A_6, %broadcast_in_dim3A : vector<512xi1>, vector<512xf32>
    %reduce_min3A = vector.shape_cast %select_n3A : vector<512xf32> to vector<1x512xf32>
    %reduce_min3A_12 = arith.constant dense<0x7F800000> : vector<1xf32>
    %reduce_min3A_13 = vector.multi_reduction <minimumf>, %reduce_min3A, %reduce_min3A_12 [1] : vector<1x512xf32> to vector<1xf32>
    %reduce_min3A_14 = vector.shape_cast %reduce_min3A_13 : vector<1xf32> to vector<1x1xf32>
    %reduce_min3A_15 = vector.extract %reduce_min3A_14[0, 0] : f32 from vector<1x1xf32>
    %gt3A = arith.constant 0.000000e+00 : f32
    %gt3A_16 = arith.cmpf ogt, %reduce_max3A_10, %gt3A : f32
    %div3A = arith.divf %reduce_max3A_10, %reduce_sum3A_4 : f32
    %gt3A_17 = arith.constant 0.000000e+00 : f32
    %gt3A_18 = arith.cmpf ogt, %div3A, %gt3A_17 : f32
    %and3A = arith.andi %gt3A_16, %gt3A_18 : i1
    %convert_element_type3A = arith.fptosi %reduce_min3A_15 : f32 to i32
    %jit3A_19 = arith.constant 128 : i32
    %div3A_20 = arith.divsi %convert_element_type3A, %jit3A_19 : i32
    %sign3A = arith.constant 0 : i32
    %sign3A_21 = arith.cmpi sgt, %convert_element_type3A, %sign3A : i32
    %sign3A_22 = arith.extui %sign3A_21 : i1 to i32
    %sign3A_23 = arith.constant 0 : i32
    %sign3A_24 = arith.cmpi slt, %convert_element_type3A, %sign3A_23 : i32
    %sign3A_25 = arith.extui %sign3A_24 : i1 to i32
    %sign3A_26 = arith.subi %sign3A_22, %sign3A_25 : i32
    %sign3A_27 = arith.constant 0 : i32
    %sign3A_28 = arith.cmpi sgt, %jit3A_19, %sign3A_27 : i32
    %sign3A_29 = arith.extui %sign3A_28 : i1 to i32
    %sign3A_30 = arith.constant 0 : i32
    %sign3A_31 = arith.cmpi slt, %jit3A_19, %sign3A_30 : i32
    %sign3A_32 = arith.extui %sign3A_31 : i1 to i32
    %sign3A_33 = arith.subi %sign3A_29, %sign3A_32 : i32
    %ne3A = arith.cmpi ne, %sign3A_26, %sign3A_33 : i32
    %rem3A = arith.remsi %convert_element_type3A, %jit3A_19 : i32
    %ne3A_34 = arith.constant 0 : i32
    %ne3A_35 = arith.cmpi ne, %rem3A, %ne3A_34 : i32
    %and3A_36 = arith.andi %ne3A, %ne3A_35 : i1
    %sub3A = arith.constant 1 : i32
    %sub3A_37 = arith.subi %div3A_20, %sub3A : i32
    %select_n3A_38 = arith.select %and3A_36, %sub3A_37, %div3A_20 : i32
    %mul3A = arith.constant 128 : i32
    %mul3A_39 = arith.muli %select_n3A_38, %mul3A : i32
    %min3A = arith.constant 999872 : i32
    %min3A_40 = arith.minsi %mul3A_39, %min3A : i32
    %multiple_of3A = tpu.assume_multiple %min3A_40, 128 : i32
    %sub3A_41 = arith.subi %convert_element_type3A, %multiple_of3A : i32
    %iota3A = tpu.iota {dimensions = array<i32: 1>} : vector<1x128xi32>
    %eq3A_42 = vector.broadcast %sub3A_41 : i32 to vector<1x128xi32>
    %eq3A_43 = arith.cmpi eq, %iota3A, %eq3A_42 : vector<1x128xi32>
    %jit3A_44 = arith.constant 1.000000e+00 : f32
    %jit3A_45 = arith.constant 0.000000e+00 : f32
    %select_n3A_46 = arith.select %and3A, %jit3A_44, %jit3A_45 : f32
    %jit3A_47 = arith.constant 0.000000e+00 : f32
    %broadcast_in_dim3A_48 = vector.broadcast %select_n3A_46 : f32 to vector<1x128xf32>
    %broadcast_in_dim3A_49 = vector.broadcast %jit3A_47 : f32 to vector<1x128xf32>
    %select_n3A_50 = arith.select %eq3A_43, %broadcast_in_dim3A_48, %broadcast_in_dim3A_49 : vector<1x128xi1>, vector<1x128xf32>
    %swap3A = arith.constant 0 : index
    %swap3A_51 = arith.constant 0 : index
    %swap3A_52 = vector.load %arg3[%swap3A, %swap3A_51] : memref<1x128xf32, #tpu.memory_space<vmem>>, vector<1x128xf32>
    tpu.vector_store %arg3[%swap3A, %swap3A_51], %select_n3A_50 {strides = array<i32>} : memref<1x128xf32, #tpu.memory_space<vmem>>, vector<1x128xf32>,
    %dma_start3A = arith.constant 0 : i32
    %dma_start3A_53 = tpu.memref_slice %arg2[%multiple_of3A] : memref<1000000xf32, #tpu.memory_space<any>> -> memref<128xf32, #tpu.memory_space<any>>
    %dma_start3A_54 = arith.constant 0 : i32
    %dma_start3A_55 = tpu.memref_slice %arg3[%dma_start3A, %dma_start3A_54] : memref<1x128xf32, #tpu.memory_space<vmem>> -> memref<1x128xf32, #tpu.memory_space<vmem>>
    %dma_start3A_56 = tpu.memref_squeeze %dma_start3A_55 : memref<1x128xf32, #tpu.memory_space<vmem>> -> memref<128xf32, #tpu.memory_space<vmem>>
    tpu.enqueue_dma source(%dma_start3A_56 : memref<128xf32, #tpu.memory_space<vmem>>) target(%dma_start3A_53 : memref<128xf32, #tpu.memory_space<any>>) target_semaphore(%arg4 : memref<!tpu.dma_semaphore, #tpu.memory_space<semaphore_mem>>)
    %dma_wait3A = arith.constant 0 : i32
    %dma_wait3A_57 = tpu.memref_slice %arg2[%multiple_of3A] : memref<1000000xf32, #tpu.memory_space<any>> -> memref<128xf32, #tpu.memory_space<any>>
    %dma_wait3A_58 = arith.constant 0 : i32
    %dma_wait3A_59 = tpu.memref_slice %arg3[%dma_wait3A, %dma_wait3A_58] : memref<1x128xf32, #tpu.memory_space<vmem>> -> memref<1x128xf32, #tpu.memory_space<vmem>>
    %dma_wait3A_60 = tpu.memref_squeeze %dma_wait3A_59 : memref<1x128xf32, #tpu.memory_space<vmem>> -> memref<128xf32, #tpu.memory_space<vmem>>
    tpu.wait_dma2 semaphore(%arg4 : memref<!tpu.dma_semaphore, #tpu.memory_space<semaphore_mem>>) src(%dma_wait3A_60 : memref<128xf32, #tpu.memory_space<vmem>>) dst(%dma_wait3A_57 : memref<128xf32, #tpu.memory_space<any>>)
    return
  }
}

</mosaic_0001>

<sc_bundles>
// kernel: _impl.4.cloned.1.call-start
scs
__scs_entry_jumppad:
0x0: {  	(pc) =	sbr.rel $0x88, $3  }
0x1: {  	(tag) =	ssettag $0x0;
	lr =	simm.s32 $0x1  }
0x2: {  	[smem:$0x3FA0] =	sst lr;
	_ =	strace $0xD0000000  }
0x3: {  	_ = 	snop  }
0x4: {  	_ = 	snop  }
0x5: {  	_ = 	snop  }
0x6: {  	_ = 	snop  }
0x7: {  	_ = 	snop  }
__scs_overlays_trampoline_lowered:
0x8: {  	[smem:$0x3FAF] =	sst s0  }
0x9: {  	[smem:$0x3FB0] =	sst s1  }
0xa: {  	[smem:$0x3FB1] =	sst s2  }
0xb: {  	[smem:$0x3FB2] =	sst s3  }
0xc: {  	[smem:$0x3FB3] =	sst s4  }
0xd: {  	[smem:$0x3FB4] =	sst s5  }
0xe: {  	[smem:$0x3FB5] =	sst s6  }
0xf: {  	[smem:$0x3FB6] =	sst s7  }
0x10: {  	[smem:$0x3FB7] =	sst s8  }
0x11: {  	[smem:$0x3FB8] =	sst s9;
	s0 =	simm.s32 @!p0 $0x0  }
0x12: {  	s1 =	sld [smem:$0x3F9E];
	s0 =	simm.s32 @p0 $0x1  }
0x13: {  	[smem:$0x3FB9] =	sst s0;
	s0 =	simm.s32 @!p1 $0x0  }
0x14: {  	s2 =	sld [smem:$0x3F9D];
	s0 =	simm.s32 @p1 $0x1  }
0x15: {  	[smem:$0x3FBA] =	sst s0;
	s0 =	simm.s32 @!p2 $0x0  }
0x16: {  	s3 =	sld [smem:$0x3FDB];
	s0 =	simm.s32 @p2 $0x1  }
0x17: {  	s4 =	simm.s32 $0x1BF5;
	[smem:$0x3FBC] =	sst s0  }
0x18: {  	s0 =	sld [smem:$0x3F9F];
	_ =	swait.ge [sflag:s4], $0x0  }
0x19: {  	s7 =	sld [smem:$0x3FA0]  }
0x1a: {  	s8 =	sadd.s32 $0xFFFFE003, lr  }
0x1b: {  	s9 =	sadd.s32 $0xFFFFFEF7, lr;
	s5 =	simm.s32 $0xFFFFFFFF;
	p2 =	slt.u32 s8, $0xFFFFF086  }
0x1c: {  	p1 =	slt.u32 s9, $0xF7A;
	s5 =	simm.s32 @!p2 $0x0  }
0x1d: {  	s5 =	simm.s32 @p1 $0x1;
	p0 =	seq.s32 s7, s2  }
0x1e: {  	s7 =	smul.u32 @!p0 $0xF7A, s2;
	p2 =	seq.s32 @!p0 s5, $0x0  }
0x1f: {  	s9 =	smul.u32 $0xF7A, s1;
	s8 =	simm.s32 @!p0 $0x1BF5;
	p2 =	por !p2, p0  }
0x20: {  	[sflag:s8] =	ssyncset.s32 @!p0 $0xFFFFF086;
	s6 =	sadd.s32 @!p0 s3, s7;
	s7 =	simm.s32 @!p0 $0x108  }
0x21: {  	s3 =	sadd.s32 s3, s9;
	s6 =	sadd.s32 @!p0 $0x88, s6;
	s7 =	simm.s32 @p2 $0x1082  }
0x22: {  	[simem:s7], [sflag:s8] =	dma.local @!p0 [hbm:s6], $0xF7A  }
0x23: {  	s9 =	sor.u32 $0xD0000000, s2;
	s6 =	simm.s32 $0x108;
	_ =	swait.ge @!p0 [sflag:s8], $0x0  }
0x24: {  	s3 =	sadd.s32 $0x88, s3;
	s6 =	simm.s32 @!p1 $0x1082;
	[sflag:s4] =	ssyncset.s32 $0xFFFFF086  }
0x25: {  	[simem:s6], [sflag:s4] =	dma.local [hbm:s3], $0xF7A  }
0x26: {  	[smem:$0x3FA0] =	sst s1;
	(tag) =	ssettag s2;
	_ =	strace s9  }
0x27: {  	s1 =	sld [smem:$0x3FB0]  }
0x28: {  	s2 =	sld [smem:$0x3FB1]  }
0x29: {  	s4 =	sld [smem:$0x3FB3]  }
0x2a: {  	p0 =	seq.s32 s5, $0x0;
	s5 =	sld [smem:$0x3FB4]  }
0x2b: {  	s6 =	sld [smem:$0x3FB5]  }
0x2c: {  	s7 =	sld [smem:$0x3FB6]  }
0x2d: {  	s3 =	simm.s32 $0x108;
	s8 =	sld [smem:$0x3FB7]  }
0x2e: {  	s3 =	simm.s32 @!p0 $0x1082;
	s9 =	sld [smem:$0x3FB8]  }
0x2f: {  	lr =	sadd.s32 s0, s3;
	s0 =	sld [smem:$0x3FAF]  }
0x30: {  	s3 =	sld [smem:$0x3FB2]  }
0x31: {  	[smem:$0x3FBB] =	sst s10  }
0x32: {  	s10 =	sld [smem:$0x3FB9];
	_ =	sdelay $0x3  }
0x33: {  	p0 =	seq.s32 s10, $0x1;
	s10 =	sld [smem:$0x3FBB];
	_ =	sdelay $0x3  }
0x34: {  	[smem:$0x3FBB] =	sst s10  }
0x35: {  	s10 =	sld [smem:$0x3FBA];
	_ =	sdelay $0x3  }
0x36: {  	p1 =	seq.s32 s10, $0x1;
	s10 =	sld [smem:$0x3FBB];
	_ =	sdelay $0x3  }
0x37: {  	[smem:$0x3FBB] =	sst s10  }
0x38: {  	s10 =	sld [smem:$0x3FBC]  }
0x39: {  	_ = 	snop;
	(pc) =	sbr.ind lr, $3  }
0x3a: {  	_ = 	snop  }
0x3b: {  	_ = 	snop  }
0x3c: {  	p2 =	seq.s32 s10, $0x1;
	s10 =	sld [smem:$0x3FBB]  }
0x3d: {  	_ =	shalt  }
0x3e: {  	_ =	shalt  }
0x3f: {  	_ =	shalt  }
0x40: {  	_ =	shalt  }
0x41: {  	_ =	shalt  }
0x42: {  	_ =	shalt  }
0x43: {  	_ =	shalt  }
0x44: {  	_ =	shalt  }
0x45: {  	_ =	shalt  }
0x46: {  	_ =	shalt  }
0x47: {  	_ =	shalt  }
0x48: {  	_ =	shalt  }
0x49: {  	_ =	shalt  }
0x4a: {  	_ =	shalt  }
0x4b: {  	_ =	shalt  }
0x4c: {  	_ =	shalt  }
0x4d: {  	_ =	shalt  }
0x4e: {  	_ =	shalt  }
0x4f: {  	_ =	shalt  }
0x50: {  	_ =	shalt  }
0x51: {  	_ =	shalt  }
0x52: {  	_ =	shalt  }
0x53: {  	_ =	shalt  }
0x54: {  	_ =	shalt  }
0x55: {  	_ =	shalt  }
0x56: {  	_ =	shalt  }
0x57: {  	_ =	shalt  }
0x58: {  	_ =	shalt  }
0x59: {  	_ =	shalt  }
0x5a: {  	_ =	shalt  }
0x5b: {  	_ =	shalt  }
0x5c: {  	_ =	shalt  }
0x5d: {  	_ =	shalt  }
0x5e: {  	_ =	shalt  }
0x5f: {  	_ =	shalt  }
0x60: {  	_ =	shalt  }
0x61: {  	_ =	shalt  }
0x62: {  	_ =	shalt  }
0x63: {  	_ =	shalt  }
0x64: {  	_ =	shalt  }
0x65: {  	_ =	shalt  }
0x66: {  	_ =	shalt  }
0x67: {  	_ =	shalt  }
0x68: {  	_ =	shalt  }
0x69: {  	_ =	shalt  }
0x6a: {  	_ =	shalt  }
0x6b: {  	_ =	shalt  }
0x6c: {  	_ =	shalt  }
0x6d: {  	_ =	shalt  }
0x6e: {  	_ =	shalt  }
0x6f: {  	_ =	shalt  }
0x70: {  	_ =	shalt  }
0x71: {  	_ =	shalt  }
0x72: {  	_ =	shalt  }
0x73: {  	_ =	shalt  }
0x74: {  	_ =	shalt  }
0x75: {  	_ =	shalt  }
0x76: {  	_ =	shalt  }
0x77: {  	_ =	shalt  }
0x78: {  	_ =	shalt  }
0x79: {  	_ =	shalt  }
0x7a: {  	_ =	shalt  }
0x7b: {  	_ =	shalt  }
0x7c: {  	_ =	shalt  }
0x7d: {  	_ =	shalt  }
0x7e: {  	_ =	shalt  }
0x7f: {  	_ =	shalt  }
0x80: {  	_ =	shalt  }
0x81: {  	_ =	shalt  }
0x82: {  	_ =	shalt  }
0x83: {  	_ =	shalt  }
0x84: {  	_ =	shalt  }
0x85: {  	_ =	shalt  }
0x86: {  	_ =	shalt  }
0x87: {  	_ =	shalt  }
.Lfunc_end0:
.L_simem_size_0:
called_computation_lowered:
.L_overlay_start_0:
0x88: {  	s2 =	sld [smem:$0x3FD9]  }
0x89: {  	s3 =	sld [smem:$0x3FFE];
	_ =	sdelay $0x1  }
0x8a: {  	s1 =	srdreg.scid  }
0x8b: {  	s0 =	sand.u32 $0x1, s1  }
0x8c: {  	s17 =	sshll.u32 s0, $0xA;
	s2 =	sadd.s32 s3, s2  }
0x8d: {  	s2 =	sadd.s32 s2, s17  }
0x8e: {  	[smem:$0x3FC7] =	sst s2  }
0x8f: {  	_ = 	snop  }
0x90: {  	s2 =	sld [smem:$0x3FC9]  }
0x91: {  	s18 =	sld [smem:$0x3FD0];
	(tm) =	ssettm $0x1  }
0x92: {  	s4 =	sld [smem:$0x3FFB];
	_ =	sdelay $0x3  }
0x93: {  	_ =	strace s4  }
0x94: {  	s4 =	sld [smem:$0x3FFC];
	_ =	sdelay $0x3  }
0x95: {  	_ =	strace s4  }
0x96: {  	s4 =	sld [smem:$0x3FFD];
	_ =	sdelay $0x3  }
0x97: {  	_ =	strace s4  }
0x98: {  	_ =	strace $0x8FFFFFFF  }
0x99: {  	s19 =	sld [smem:$0x3FDB];
	_ =	sdelay $0x1  }
0x9a: {  	s5 =	simm.s32 $_scs_section_size  }
0x9b: {  	s6 =	simm.s32 $_size__tile_overlayer_lowered;
	s7 =	simm.s32 $_tile_overlayer_lowered  }
0x9c: {  	s22 =	simm.s32 $0x1BFF;
	s21 =	sshll.u32 s7, $0x1;
	s4 =	sadd.s32 s5, s19  }
0x9d: {  	s8 =	simm.s32 $0x0;
	s20 =	sshll.u32 s6, $0x1;
	s6 =	sadd.s32 s21, s4  }
0x9e: {  	[timem:s8], [sflag:s22] =	dma.local [hbm:s6], s20  }
0x9f: {  	_ =	swait.ge [sflag:s22], s20  }
0xa0: {  	s5 =	ssub.s32 $0x0, s20;
	[sflag:s22] =	ssyncset.done $0x0  }
0xa1: {  	[sflag:s22] =	ssyncadd.s32 s5;
	_ =	sdelay $0x1  }
0xa2: {  	s23 =	simm.s32 $0x1B8B  }
0xa3: {  	_ =	swait.ge [sflag:s23], $0x1  }
0xa4: {  	[sflag:s23] =	ssyncset.done $0x0  }
0xa5: {  	s25 =	simm.s32 $0x1B8E;
	s24 =	sld [smem:$0x3FFE];
	[sflag:s23] =	ssyncadd.s32 $0xFFFFFFFF  }
0xa6: {  	s26 =	simm.s32 $execute0_lowered;
	[smem:$0x3FD2] =	sst s25  }
0xa7: {  	s6 =	sshll.u32 s26, $0x1;
	_ =	strace $0x80000046;
	[dreg:$0x1] =	wrdreg $0xFFFFFFFF  }
0xa8: {  	s28 =	simm.s32 $_size_execute0_lowered;
	s4 =	sadd.s32 s4, s6;
	[dreg:$0x0] =	wrdreg $0x0  }
0xa9: {  	s6 =	sshll.u32 s28, $0x1;
	[dreg:$0x2] =	wrdreg s4  }
0xaa: {  	[dreg:$0x3] =	wrdreg s6  }
0xab: {  	[dreg:$0x4] =	wrdreg $0xC0  }
0xac: {  	_ =	task [dreg:s8], $0x5FFFF  }
0xad: {  	[dreg:$0x1] =	wrdreg $0xFFFFFFFF  }
0xae: {  	[dreg:$0x0] =	wrdreg $0x60  }
0xaf: {  	[dreg:$0x2] =	wrdreg s2  }
0xb0: {  	[dreg:$0x3] =	wrdreg s18  }
0xb1: {  	[dreg:$0x4] =	wrdreg s24  }
0xb2: {  	[dreg:$0x5] =	wrdreg $0x9  }
0xb3: {  	_ =	task.clear_ibuf [dreg:s8], $0x6FFFF;
	_ =	strace $0x90000046  }
0xb4: {  	s29 =	simm.s32 $0x9;
	_ =	strace $0x80000048  }
0xb5: {  	_ =	swait.ge [sflag:s29], $0x1  }
0xb6: {  	[sflag:s29] =	ssyncadd.s32 $0xFFFFFFFF  }
0xb7: {  	_ =	strace $0x90000048  }
0xb8: {  	_ =	sfence  }
0xb9: {  	s30 =	sld [smem:$0x0];
	_ =	sdelay $0x2  }
0xba: {  	s31 =	sshll.u32 s1, $0xD;
	s1 =	sshrl.u32 s1, $0x2  }
0xbb: {  	s3 =	sand.u32 $0x4000, s31;
	s1 =	sadd.s32 s1, s30  }
0xbc: {  	s0 =	sor.u32 s3, s0;
	s1 =	sshll.u32 s1, $0x11  }
0xbd: {  	s0 =	sor.u32 s1, s0  }
0xbe: {  	s0 =	sadd.s32 $0x8F2B, s0  }
0xbf: {  	[sflag:s0] =	ssyncadd.remote.s32 $0x1  }
0xc0: {  	_ =	sfence.sel $0xFFFF  }
0xc1: {  	[dreg:$0x0] =	wrdreg $0xFFFFFFFF;
	(pc) =	sbr.abs _section_cstart, $3  }
0xc2: {  	[dreg:$0x1] =	wrdreg $0xFFFFFFFF  }
0xc3: {  	_ =	task.clear_ibuf [dreg:s8], $0x2FFFF;
	_ =	strace $0x9FFFFFFF  }
0xc4: {  	(tm) =	ssettm $0x7FFFFFFF  }
0xc5: {  	_ =	shalt  }
tec
execute0_lowered:
.L_overlay_start_1:
0x0: {  	(tag) =	ssettag $0x1  }
0x1: {  	s0 =	rddreg [dreg:$0x0]  }
0x2: {  	s1 =	srdreg.scid;
	s4 =	rddreg [dreg:$0x1]  }
0x3: {  	s2 =	stileid.u32;
	s3 =	rddreg [dreg:$0x2];
	v0 =	vimm.f32 $1.500000000e+01;
	vm0 =	vcmask $0x300;
	s21 =	simm.s32 $0x7A80  }
0x4: {  	vm14 =	vcmask $0x704;
	s22 =	simm.s32 $0x3D10;
	s23 =	simm.s32 $0x2;
	s28 =	simm.s32 $0x8A90;
	v0 =	vsel vm0, $0x0, v0  }
0x5: {  	vm15 =	vcmask $0xB08;
	s31 =	simm.s32 $0x0;
	s1 =	sand.u32 $0x1, s1;
	s2 =	sshll.u32 s2, $0x1;
	v0 =	vsel vm14, $0x3F800000, v0  }
0x6: {  	vm4 =	vcmask $0xF0C;
	s5 =	sor.u32 s1, s2;
	s2 =	simm.s32 $0x0;
	s1 =	ssub.s32 $0x2, s1;
	v0 =	vsel vm15, $0x40000000, v0  }
0x7: {  	vm5 =	vcmask $0x1310;
	s17 =	smul.u32 $0x7A20, s5;
	[smem:$0x7FF] =	sst s2;
	s6 =	sshll.u32 s5, $0x1;
	v0 =	vsel vm4, $0x40400000, v0  }
0x8: {  	vm6 =	vcmask $0x1714;
	p0 =	seq.s32 s5, $0x1F;
	s24 =	sshrl.u32 s1, $0x1;
	_ =	strace $0x80000047;
	v0 =	vsel vm5, $0x40800000, v0  }
0x9: {  	vm7 =	vcmask $0x1B18;
	s19 =	sadd.s32 s6, s3;
	s3 =	simm.s32 $0x7860;
	s1 =	ssub.s32 s1, s24;
	v0 =	vsel vm6, $0x40A00000, v0  }
0xa: {  	vm8 =	vcmask $0x1F1C;
	s24 =	simm.s32 $0x3;
	s5 =	smov.u32 s17;
	s3 =	simm.s32 @!p0 $0x7A20;
	v0 =	vsel vm7, $0x40C00000, v0  }
0xb: {  	vm9 =	vcmask $0x2320;
	s11 =	sshrl.u32 s17, $0x3;
	s26 =	scvt.s32.f32 s17;
	s18 =	sadd.s32 $0x3D00, s17;
	v0 =	vsel vm8, $0x40E00000, v0  }
0xc: {  	vm10 =	vcmask $0x2724;
	s20 =	smax.u32 s1, $0x1;
	s5 =	simm.s32 @p0 $0xEC820;
	s11 =	sadd.s32 s0, s11;
	v0 =	vsel vm9, $0x41000000, v0  }
0xd: {  	vm11 =	vcmask $0x2B28;
	s25 =	sadd.s32 $0x2F0, s3;
	s15 =	sadd.s32 $0xFFFFFFF0, s3;
	s29 =	scvt.s32.f32 s18;
	v0 =	vsel vm10, $0x41100000, v0  }
0xe: {  	vm12 =	vcmask $0x2F2C;
	s18 =	sadd.s32 $0xA40, s19;
	s5 =	sshrl.u32 s5, $0x3;
	s13 =	sadd.s32 $0x7A2, s11;
	v0 =	vsel vm11, $0x41200000, v0  }
0xf: {  	vm13 =	vcmask $0x3330;
	s14 =	sand.u32 $0x3F50, s25;
	s17 =	sadd.s32 s17, s15;
	s25 =	simm.s32 $0x8A80;
	v0 =	vsel vm12, $0x41300000, v0  }
0x10: {  	vm14 =	vcmask $0x3734;
	s4 =	sadd.s32 s4, s5;
	s16 =	ssub.s32 $0x0, s14;
	s30 =	scvt.s32.f32 s17;
	v0 =	vsel vm13, $0x41400000, v0  }
0x11: {  	vm15 =	vcmask $0x3B38;
	s17 =	sadd.s32 $0xA00, s19;
	s19 =	sadd.s32 $0xA80, s19;
	s5 =	sadd.s32 $0x200, s4;
	v0 =	vsel vm14, $0x41500000, v0  }
0x12: {  	s6 =	sadd.s32 $0x400, s4;
	s7 =	sadd.s32 $0x600, s4;
	s8 =	sadd.s32 $0x800, s4;
	v2 =	vsel vm15, $0x41600000, v0  }
0x13: {  	s9 =	sadd.s32 $0xA00, s4;
	s10 =	sadd.s32 $0xC00, s4;
	s12 =	sadd.s32 $0xE00, s4;
	v0 =	vadd.f32 s26, v2  }
0x14: {  	v3 =	vimm.f32 $0.0e+00;
	s26 =	simm.s32 $0x4;
	v1 =	vadd.f32 s29, v2;
	v2 =	vadd.f32 s30, v2;
	s29 =	simm.s32 $0x8AA0;
	s30 =	simm.s32 $0x1  }
.LBB2_1:
0x15: {  	s0 =	simm.s32 $0x7AC0  }
0x16: {  	[tilespmem:s0+$0xFFFFFFC0] =	vst v3  }
0x17: {  	[tilespmem:s0+$0x30] =	vst v3  }
0x18: {  	[tilespmem:s0+$0x20] =	vst v3  }
0x19: {  	[tilespmem:s0+$0x10] =	vst v3  }
0x1a: {  	[tilespmem:s0+$0x0] =	vst v3  }
0x1b: {  	[tilespmem:s0+$0xFFFFFFF0] =	vst v3  }
0x1c: {  	s1 =	simm.s32 $0x0;
	[tilespmem:s0+$0xFFFFFFE0] =	vst v3  }
.LBB2_2:
0x1d: {  	s1 =	sadd.s32 $0x80, s1;
	[tilespmem:s0+$0xFFFFFFD0] =	vst v3;
	s0 =	sadd.s32 $0x80, s0  }
0x1e: {  	[tilespmem:s0+$0xFFFFFFC0] =	vst v3;
	p0 =	slt.u32 s1, $0xF80  }
0x1f: {  	[tilespmem:s0+$0x30] =	vst v3  }
.Ltmp0:
0x20: {  	[tilespmem:s0+$0x20] =	vst v3;
	(pc) =	sbr.rel @p0 .LBB2_2-.Ltmp0, $4  }
0x21: {  	[tilespmem:s0+$0x10] =	vst v3  }
0x22: {  	[tilespmem:s0+$0x0] =	vst v3  }
0x23: {  	[tilespmem:s0+$0xFFFFFFF0] =	vst v3  }
0x24: {  	[tilespmem:s0+$0xFFFFFFE0] =	vst v3  }
0x25: {  	[tilespmem:s0+$0xFFFFFFD0] =	vst v3  }
0x26: {  	[hbm4b:s4+s2] =	stream.linear.scatter [tilespmem:s21], [sflag:$0x1], $0x1000, $0x38;
	[tilespmem:$0x8B00] =	vst v63  }
0x27: {  	_ = 	snop  }
0x28: {  	[hbm4b:s5+s2] =	stream.linear.scatter [tilespmem:s21], [sflag:$0x1], $0x1000, $0x38;
	[tilespmem:$0x8B00] =	vst v63  }
0x29: {  	_ = 	snop  }
0x2a: {  	[hbm4b:s6+s2] =	stream.linear.scatter [tilespmem:s21], [sflag:$0x1], $0x1000, $0x38;
	[tilespmem:$0x8B00] =	vst v63  }
0x2b: {  	_ = 	snop  }
0x2c: {  	[hbm4b:s7+s2] =	stream.linear.scatter [tilespmem:s21], [sflag:$0x1], $0x1000, $0x38;
	[tilespmem:$0x8B00] =	vst v63  }
0x2d: {  	_ = 	snop  }
0x2e: {  	[hbm4b:s8+s2] =	stream.linear.scatter [tilespmem:s21], [sflag:$0x1], $0x1000, $0x38;
	[tilespmem:$0x8B00] =	vst v63  }
0x2f: {  	_ = 	snop  }
0x30: {  	[hbm4b:s9+s2] =	stream.linear.scatter [tilespmem:s21], [sflag:$0x1], $0x1000, $0x38;
	[tilespmem:$0x8B00] =	vst v63  }
0x31: {  	_ = 	snop  }
0x32: {  	[hbm4b:s10+s2] =	stream.linear.scatter [tilespmem:s21], [sflag:$0x1], $0x1000, $0x38;
	[tilespmem:$0x8B00] =	vst v63  }
0x33: {  	_ = 	snop  }
0x34: {  	[hbm4b:s12+s2] =	stream.linear.scatter [tilespmem:s21], [sflag:$0x1], $0xA20, $0x38;
	[tilespmem:$0x8B00] =	vst v63  }
0x35: {  	_ = 	snop  }
0x36: {  	[tilespmem:s2], [sflag:$0x2] =	stream.linear.gather [hbm4b:s11+s2], $0x3D10, $0x38;
	[tilespmem:$0x8B00] =	vst v63  }
0x37: {  	_ = 	snop  }
0x38: {  	[tilespmem:s22], [sflag:$0x3] =	stream.linear.gather [hbm4b:s13+s2], s14, $0x38;
	[tilespmem:$0x8B00] =	vst v63  }
0x39: {  	_ =	swait.ge [sflag:s23], $0x3D10  }
0x3a: {  	[sflag:s23] =	ssyncset.done $0x0  }
0x3b: {  	s1 =	simm.s32 $0x20;
	[sflag:s23] =	ssyncadd.s32 $0xFFFFC2F0  }
0x3c: {  	v4 =	vld [tilespmem:s1+$0xFFFFFFE0]  }
0x3d: {  	v9 =	vld [tilespmem:s1+$0xFFFFFFF0]  }
0x3e: {  	v10 =	vimm.f32 $-Inf;
	v7 =	vadd.f32 $1.600000000e+01, v0;
	v11 =	vld [tilespmem:s1+$0x0]  }
0x3f: {  	v12 =	vimm.f32 $0.0e+00;
	v8 =	vadd.f32 $6.400000000e+01, v0;
	v16 =	vadd.f32 $3.200000000e+01, v0  }
0x40: {  	v13 =	vadd.f32 $4.800000000e+01, v0;
	v17 =	vimm.f32 $-Inf;
	v19 =	vimm.f32 $-Inf;
	v23 =	vld [tilespmem:s1+$0x10]  }
0x41: {  	v15 =	vimm.f32 $0.0e+00;
	v18 =	vimm.f32 $0.0e+00;
	v20 =	vimm.f32 $0.0e+00  }
0x42: {  	v21 =	vimm.f32 $0.0e+00;
	v5 =	vand.u32 $0x7FFFFFFF, v4;
	v14 =	vand.u32 $0x7FFFFFFF, v9  }
0x43: {  	vm0 =	vgt.f32 v4, v10;
	v24 =	vand.u32 $0x7FFFFFFF, v11;
	v6 =	vadd.f32 v5, v12  }
0x44: {  	s0 =	simm.s32 $0x60;
	v22 =	vmovc v0;
	s1 =	simm.s32 $0x0;
	v5 =	vadd.f32 v14, v12;
	v4 =	vsel vm0, v4, v10;
	v14 =	vimm.f32 $0.0e+00  }
.LBB2_4:
0x45: {  	v25 =	vld [tilespmem:s0+$0xFFFFFFE0];
	vm1 =	vgt.f32 v9, v10;
	vm2 =	vgt.f32 v11, v17;
	vm3 =	vgt.f32 v23, v19  }
0x46: {  	s1 =	sadd.s32 $0x40, s1;
	v10 =	vsel vm1, v9, v10;
	v9 =	vld [tilespmem:s0+$0xFFFFFFF0];
	v17 =	vsel vm2, v11, v17;
	v19 =	vsel vm3, v23, v19  }
0x47: {  	v12 =	vadd.f32 v24, v12;
	v24 =	vand.u32 $0x7FFFFFFF, v23;
	v14 =	vsel vm0, v22, v14;
	v22 =	vmovc v8;
	p0 =	slt.u32 s1, $0x3CC0;
	v11 =	vld [tilespmem:s0+$0x0]  }
.Ltmp1:
0x48: {  	v15 =	vadd.f32 v24, v15;
	v18 =	vsel vm1, v7, v18;
	v20 =	vsel vm2, v16, v20;
	v23 =	vld [tilespmem:s0+$0x10];
	(pc) =	sbr.rel @p0 .LBB2_4-.Ltmp1, $4  }
0x49: {  	v8 =	vadd.f32 $6.400000000e+01, v8;
	v7 =	vadd.f32 $1.600000000e+01, v22;
	v21 =	vsel vm3, v13, v21  }
0x4a: {  	v16 =	vadd.f32 $3.200000000e+01, v22;
	v13 =	vadd.f32 $4.800000000e+01, v22;
	v24 =	vand.u32 $0x7FFFFFFF, v25  }
0x4b: {  	vm0 =	vgt.f32 v25, v4;
	v6 =	vadd.f32 v24, v6;
	v24 =	vand.u32 $0x7FFFFFFF, v9  }
0x4c: {  	s0 =	sadd.s32 $0x40, s0;
	v4 =	vsel vm0, v25, v4;
	v5 =	vadd.f32 v24, v5;
	v24 =	vand.u32 $0x7FFFFFFF, v11  }
0x4d: {  	_ =	swait.ge [sflag:s24], s14  }
0x4e: {  	[sflag:s24] =	ssyncset.done $0x0  }
0x4f: {  	s0 =	simm.s32 $0x3D40;
	[sflag:s24] =	ssyncadd.s32 s16  }
0x50: {  	v25 =	vld [tilespmem:s0+$0xFFFFFFD0];
	_ =	sdelay $0x1  }
0x51: {  	vm1 =	vgt.f32 v9, v10  }
0x52: {  	vm2 =	vgt.f32 v11, v17;
	vm3 =	vgt.f32 v23, v19;
	v9 =	vsel vm1, v9, v10  }
0x53: {  	v10 =	vsel vm2, v11, v17;
	v11 =	vsel vm3, v23, v19;
	v23 =	vand.u32 $0x7FFFFFFF, v23;
	v17 =	vld [tilespmem:s0+$0xFFFFFFE0]  }
0x54: {  	v8 =	vadd.f32 $1.600000000e+01, v8;
	p0 =	sgt.u32 s15, $0x3D50;
	v15 =	vadd.f32 v23, v15;
	v19 =	vld [tilespmem:s0+$0xFFFFFFF0];
	v23 =	vand.u32 $0x7FFFFFFF, v25  }
.Ltmp2:
0x55: {  	v12 =	vadd.f32 v24, v12;
	v14 =	vsel vm0, v22, v14;
	v6 =	vadd.f32 v23, v6;
	v23 =	vld [tilespmem:s0+$0x0];
	(pc) =	sbr.rel @!p0 .LBB2_7-.Ltmp2, $4  }
0x56: {  	v7 =	vsel vm1, v7, v18;
	v16 =	vsel vm2, v16, v20;
	v18 =	vadd.f32 $1.600000000e+01, v8  }
0x57: {  	v13 =	vsel vm3, v13, v21;
	v22 =	vadd.f32 $6.400000000e+01, v8;
	v21 =	vadd.f32 $3.200000000e+01, v8  }
0x58: {  	v20 =	vadd.f32 $4.800000000e+01, v8;
	v24 =	vand.u32 $0x7FFFFFFF, v17;
	vm0 =	vgt.f32 v25, v4  }
0x59: {  	s1 =	simm.s32 $0x3D50;
	v5 =	vadd.f32 v24, v5;
	v24 =	vand.u32 $0x7FFFFFFF, v19;
	v4 =	vsel vm0, v25, v4;
	s0 =	simm.s32 $0x3D80  }
.LBB2_6:
0x5a: {  	v25 =	vld [tilespmem:s0+$0xFFFFFFD0];
	vm1 =	vgt.f32 v17, v9;
	vm2 =	vgt.f32 v19, v10;
	vm3 =	vgt.f32 v23, v11  }
0x5b: {  	s1 =	sadd.s32 $0x40, s1;
	v9 =	vsel vm1, v17, v9;
	v17 =	vld [tilespmem:s0+$0xFFFFFFE0];
	v10 =	vsel vm2, v19, v10;
	v11 =	vsel vm3, v23, v11  }
0x5c: {  	v12 =	vadd.f32 v24, v12;
	v24 =	vand.u32 $0x7FFFFFFF, v23;
	v14 =	vsel vm0, v8, v14;
	v8 =	vmovc v22;
	p0 =	slt.u32 s1, s15;
	v19 =	vld [tilespmem:s0+$0xFFFFFFF0]  }
.Ltmp3:
0x5d: {  	v15 =	vadd.f32 v24, v15;
	v7 =	vsel vm1, v18, v7;
	v16 =	vsel vm2, v21, v16;
	v23 =	vld [tilespmem:s0+$0x0];
	(pc) =	sbr.rel @p0 .LBB2_6-.Ltmp3, $4  }
0x5e: {  	v22 =	vadd.f32 $6.400000000e+01, v22;
	v18 =	vadd.f32 $1.600000000e+01, v8;
	v13 =	vsel vm3, v20, v13  }
0x5f: {  	v21 =	vadd.f32 $3.200000000e+01, v8;
	v20 =	vadd.f32 $4.800000000e+01, v8;
	v24 =	vand.u32 $0x7FFFFFFF, v25  }
0x60: {  	vm0 =	vgt.f32 v25, v4;
	v6 =	vadd.f32 v24, v6;
	v24 =	vand.u32 $0x7FFFFFFF, v17  }
0x61: {  	s0 =	sadd.s32 $0x40, s0;
	v4 =	vsel vm0, v25, v4;
	v5 =	vadd.f32 v24, v5;
	v24 =	vand.u32 $0x7FFFFFFF, v19  }
.LBB2_7:
0x62: {  	v22 =	vld [tilespmem:$0x3D00];
	vm1 =	vgt.f32 v17, v9;
	vm2 =	vgt.f32 v19, v10;
	vm3 =	vgt.f32 v23, v11  }
0x63: {  	v25 =	vld [tilespmem:s3+$0xFFFFFFF0];
	v12 =	vadd.f32 v24, v12;
	v56 =	vand.u32 $0x7FFFFFFF, v23;
	v8 =	vsel vm0, v8, v14  }
0x64: {  	v9 =	vsel vm1, v17, v9;
	v10 =	vsel vm2, v19, v10;
	v11 =	vsel vm3, v23, v11  }
0x65: {  	v57 =	vadd.f32 v56, v15;
	v58 =	vsel vm2, v21, v16;
	v13 =	vsel vm3, v20, v13  }
0x66: {  	v7 =	vsel vm1, v18, v7;
	vm12 =	veq.f32 v11, v10;
	vm3 =	vlt.f32 v13, v58  }
0x67: {  	vm13 =	vgt.f32 v11, v10;
	v59 =	vand.u32 $0x7FFFFFFF, v22;
	vm7 =	vgt.f32 v22, v4  }
0x68: {  	v60 =	vand.u32 $0x7FFFFFFF, v25;
	vm8 =	vgt.f32 v25, v9;
	v4 =	vsel vm7, v22, v4  }
0x69: {  	v8 =	vsel vm7, v1, v8;
	v9 =	vsel vm8, v25, v9;
	v7 =	vsel vm8, v2, v7  }
0x6a: {  	v6 =	vadd.f32 v59, v6;
	vm10 =	veq.f32 v9, v4;
	vm11 =	vlt.f32 v7, v8  }
0x6b: {  	v5 =	vadd.f32 v60, v5;
	vm9 =	vgt.f32 v9, v4;
	vm1 =	vmand vm10, vm11  }
0x6c: {  	vm2 =	vmand vm12, vm3;
	v61 =	vadd.f32 v57, v12;
	vm0 =	vmor vm9, vm1  }
0x6d: {  	v5 =	vadd.f32 v5, v6;
	vm1 =	vmor vm13, vm2;
	v4 =	vsel vm0, v9, v4  }
0x6e: {  	v7 =	vsel vm0, v7, v8;
	v62 =	vsel vm1, v11, v10;
	v63 =	vsel vm1, v13, v58  }
0x6f: {  	vm14 =	veq.f32 v62, v4;
	vm1 =	vlt.f32 v63, v7  }
0x70: {  	v5 =	vadd.f32 v5, v61;
	vm15 =	vgt.f32 v62, v4;
	vm0 =	vmand vm14, vm1  }
0x71: {  	vm0 =	vmor vm15, vm0  }
0x72: {  	[tilespmem:$0x8A80] =	vst v5;
	v4 =	vsel vm0, v62, v4  }
0x73: {  	v5 =	vsel vm0, v63, v7;
	[tilespmem:$0x8A90] =	vst v4  }
0x74: {  	[tilespmem:$0x8AA0] =	vst v5  }
0x75: {  	[hbm4b:s17+s2] =	stream.linear.scatter [tilespmem:s25], [sflag:$0x4], $0x10, $0x38;
	[tilespmem:$0x8B00] =	vst v63  }
0x76: {  	_ =	swait.ge [sflag:s26], $0x10  }
0x77: {  	[sflag:s26] =	ssyncset.done $0x0  }
0x78: {  	[sflag:s26] =	ssyncadd.s32 $0xFFFFFFF0  }
0x79: {  	[hbm4b:s18+s2] =	stream.linear.scatter [tilespmem:s28], [sflag:$0x4], $0x10, $0x38;
	[tilespmem:$0x8B00] =	vst v63  }
0x7a: {  	_ =	swait.ge [sflag:s26], $0x10  }
0x7b: {  	[sflag:s26] =	ssyncset.done $0x0  }
0x7c: {  	[sflag:s26] =	ssyncadd.s32 $0xFFFFFFF0  }
0x7d: {  	[hbm4b:s19+s2] =	stream.linear.scatter [tilespmem:s29], [sflag:$0x4], $0x10, $0x38;
	[tilespmem:$0x8B00] =	vst v63  }
0x7e: {  	_ =	swait.ge [sflag:s26], $0x10  }
0x7f: {  	[sflag:s26] =	ssyncset.done $0x0  }
0x80: {  	[sflag:s26] =	ssyncadd.s32 $0xFFFFFFF0  }
0x81: {  	_ =	swait.ge [sflag:s30], $0x1000  }
0x82: {  	[sflag:s30] =	ssyncset.done $0x0  }
0x83: {  	[sflag:s30] =	ssyncadd.s32 $0xFFFFF000  }
0x84: {  	_ =	swait.ge [sflag:s30], $0x1000  }
0x85: {  	[sflag:s30] =	ssyncset.done $0x0  }
0x86: {  	[sflag:s30] =	ssyncadd.s32 $0xFFFFF000  }
0x87: {  	_ =	swait.ge [sflag:s30], $0x1000  }
0x88: {  	[sflag:s30] =	ssyncset.done $0x0  }
0x89: {  	[sflag:s30] =	ssyncadd.s32 $0xFFFFF000  }
0x8a: {  	_ =	swait.ge [sflag:s30], $0x1000  }
0x8b: {  	[sflag:s30] =	ssyncset.done $0x0  }
0x8c: {  	[sflag:s30] =	ssyncadd.s32 $0xFFFFF000  }
0x8d: {  	_ =	swait.ge [sflag:s30], $0x1000  }
0x8e: {  	[sflag:s30] =	ssyncset.done $0x0  }
0x8f: {  	[sflag:s30] =	ssyncadd.s32 $0xFFFFF000  }
0x90: {  	_ =	swait.ge [sflag:s30], $0x1000  }
0x91: {  	[sflag:s30] =	ssyncset.done $0x0  }
0x92: {  	s31 =	sadd.s32 $0x1, s31;
	[sflag:s30] =	ssyncadd.s32 $0xFFFFF000  }
0x93: {  	p0 =	sne.s32 s31, s20;
	_ =	swait.ge [sflag:s30], $0x1000  }
.Ltmp4:
0x94: {  	[sflag:s30] =	ssyncset.done $0x0;
	(pc) =	sbr.rel @p0 .LBB2_1-.Ltmp4, $4  }
0x95: {  	[sflag:s30] =	ssyncadd.s32 $0xFFFFF000  }
0x96: {  	_ =	swait.ge [sflag:s30], $0xA20  }
0x97: {  	[sflag:s30] =	ssyncset.done $0x0  }
0x98: {  	[sflag:s30] =	ssyncadd.s32 $0xFFFFF5E0  }
0x99: {  	_ =	sfence.sel $0x180000  }
0x9a: {  	[bflag:$0x0] =	sbarrier.arrive $0xFFFF  }
0x9b: {  	_ =	strace $0x90000047  }
0x9c: {  	s0 =	stileid.u32;
	[bflag:$0x2] =	sbarrier.arrive $0xFFFF  }
0x9d: {  	p0 =	sne.s32 s0, $0x0;
	s0 =	rddreg [dreg:$0x3]  }
0x9e: {  	s0 =	sadd.s32 @!p0 $0x100000, s0  }
0x9f: {  	[sflag:s0] =	ssyncadd.tile.s32 @!p0 $0x1;
	_ =	shalt  }
.Lfunc_end2:
_tile_overlayer_lowered:
.L_overlay_start_2:
0xa0: {  	(tag) =	ssettag $0x2  }
0xa1: {  	s0 =	rddreg [dreg:$0x0];
	s2 =	stileid.u32  }
0xa2: {  	s1 =	rddreg [dreg:$0x1];
	p0 =	sne.s32 s2, $0x0  }
0xa3: {  	s3 =	rddreg [dreg:$0x2];
	[bflag:$0x3] =	sbarrier.arrive $0xFFFF;
	s2 =	simm.s32 @!p0 $0x1C04  }
0xa4: {  	[timem:s3], [sflag:s2] =	dma.local @!p0 [hbm:s0], s1  }
0xa5: {  	s0 =	simm.s32 @!p0 $0x4  }
0xa6: {  	_ =	swait.ge @!p0 [sflag:s0], s1  }
0xa7: {  	s1 =	ssub.s32 @!p0 $0x0, s1;
	[sflag:s0] =	ssyncset.done @!p0 $0x0  }
0xa8: {  	[sflag:s0] =	ssyncadd.s32 @!p0 s1  }
0xa9: {  	[bflag:$0x3] =	sbarrier.arrive $0xFFFF  }
0xaa: {  	_ =	shalt  }

</sc_bundles>
